<compile_context>
chip_gen: v7x
topology: tpu7x:2x2x1
jax: 0.10.2.dev20260603
libtpu: 0.0.44.dev20260713+nightly
codegen_flags: <defaults>
</compile_context>

<pallas_src>
import functools

import jax
import jax.numpy as jnp
from jax import lax
from jax.experimental import pallas as pl
from jax.experimental.pallas import tpu as pltpu
from jax.experimental.pallas import tpu_sc as plsc

N_ROWS = 16384
N_COLS = 1000
ALIGNC = 896
L = 16
NC = 2
NS = 16
NW = NC * NS
ROWS_PER_W = N_ROWS // NW
CH = 16
N_CH = ROWS_PER_W // CH


def _sc_body(probs_hbm, tgt_hbm, rwd_hbm, out_hbm,
             tgt_v, rwd_v, buf0, buf1, acc_v, red_v, shared, sem0, sem1):
    c = lax.axis_index("c")
    s = lax.axis_index("s")
    w = c * NS + s
    base = w * ROWS_PER_W

    pltpu.sync_copy(tgt_hbm.at[pl.ds(base, ROWS_PER_W)], tgt_v)
    pltpu.sync_copy(rwd_hbm.at[pl.ds(base, ROWS_PER_W)], rwd_v)

    lane = lax.iota(jnp.int32, L)
    bufs = (buf0, buf1)
    sems = (sem0, sem1)

    def start(chunk, buf, sem):
        row0 = pl.multiple_of(base + chunk * CH, 8)
        pltpu.async_copy(
            probs_hbm.at[pl.ds(row0, CH), pl.ds(0, ALIGNC)], buf, sem)

    def drain(buf, sem):
        pltpu.make_async_copy(
            probs_hbm.at[pl.ds(0, CH), pl.ds(0, ALIGNC)], buf, sem).wait()

    start(0, buf0, sem0)
    start(1, buf1, sem1)

    def pair(m, acc):
        for b in range(2):
            chunk = 2 * m + b
            drain(bufs[b], sems[b])
            start(jnp.minimum(chunk + 2, N_CH - 2 + b), bufs[b], sems[b])
            off = pl.multiple_of(chunk * CH, 8)
            tv = tgt_v[pl.ds(off, L)]
            rv = rwd_v[pl.ds(off, L)]
            for i in range(CH):
                t_k = tv[i]
                group = pl.multiple_of(jnp.minimum(t_k & ~15, ALIGNC - L), 16)
                v16 = bufs[b][i, pl.ds(group, L)]
                rk = jnp.where(t_k < ALIGNC, rv[i], 0.0)
                acc = acc + jnp.where(lane == (t_k & 15),
                                      (1.0 - v16) * rk, 0.0)
        return acc

    acc = lax.fori_loop(0, N_CH // 2, pair, jnp.zeros((L,), jnp.float32))
    drain(buf0, sem0)
    drain(buf1, sem1)
    acc_v[...] = acc * (1.0 / N_ROWS)

    pltpu.sync_copy(acc_v, shared.at[pl.ds(s * L, L)])
    plsc.subcore_barrier()

    @pl.when(s == 0)
    def _reduce():
        pltpu.sync_copy(shared, red_v)
        tot = jnp.zeros((L,), jnp.float32)
        for k in range(NS):
            tot = tot + red_v[pl.ds(k * L, L)]
        acc_v[...] = tot
        pltpu.sync_copy(acc_v, out_hbm.at[pl.ds(c * L, L)])


_ganloss_sc = functools.partial(
    pl.kernel,
    out_type=jax.ShapeDtypeStruct((NC * L,), jnp.float32),
    mesh=plsc.VectorSubcoreMesh(core_axis_name="c", subcore_axis_name="s"),
    scratch_types=[
        pltpu.VMEM((ROWS_PER_W,), jnp.int32),
        pltpu.VMEM((ROWS_PER_W,), jnp.float32),
        pltpu.VMEM((CH, ALIGNC), jnp.float32),
        pltpu.VMEM((CH, ALIGNC), jnp.float32),
        pltpu.VMEM((L,), jnp.float32),
        pltpu.VMEM((NS * L,), jnp.float32),
        pltpu.VMEM_SHARED((NS * L,), jnp.float32),
        pltpu.SemaphoreType.DMA,
        pltpu.SemaphoreType.DMA,
    ],
)(_sc_body)



BLK = 1024
GRID = N_ROWS // BLK
TCW = 128
TC_COL0 = 7 * TCW


def _tc_tail_body(tgt_ref, rwd_ref, probs_ref, out_ref):
    g = pl.program_id(0)
    p = probs_ref[...]
    t = tgt_ref[...]
    r = rwd_ref[...]
    tailf = jnp.where(t >= TC_COL0, 1.0, 0.0)
    rt = r * tailf
    cols = jax.lax.broadcasted_iota(jnp.int32, (BLK, TCW), 1) + TC_COL0
    psel = jnp.where(cols == t, p * rt, 0.0)
    part = (jnp.sum(rt) - jnp.sum(psel)) * (1.0 / N_ROWS)

    @pl.when(g == 0)
    def _init():
        out_ref[0, 0] = 0.0

    out_ref[0, 0] += part


_ganloss_tc_tail = pl.pallas_call(
    _tc_tail_body,
    grid=(GRID,),
    in_specs=[
        pl.BlockSpec((BLK, 1), lambda g: (g, 0)),
        pl.BlockSpec((BLK, 1), lambda g: (g, 0)),
        pl.BlockSpec((BLK, TCW), lambda g: (g, 7)),
    ],
    out_specs=pl.BlockSpec((1, 1), lambda g: (0, 0), memory_space=pltpu.SMEM),
    out_shape=jax.ShapeDtypeStruct((1, 1), jnp.float32),
    compiler_params=pltpu.CompilerParams(
        dimension_semantics=("arbitrary",),
    ),
)


def kernel(probs, targets, reward):
    t32 = targets.astype(jnp.int32)
    sc_partials = _ganloss_sc(probs, t32, reward)
    tc_part = _ganloss_tc_tail(
        t32.reshape(N_ROWS, 1), reward.reshape(N_ROWS, 1), probs)
    return jnp.sum(sc_partials) + tc_part[0, 0]

# --- scband reference (transcript-rebuilt; emitter-appended) ---
"""Pipeline reference for scband-ganloss-66718021976071 (READ-ONLY COPY).

The authoritative reference and input builder live on the scoring server;
editing this copy changes nothing except your own understanding.
"""

import jax, jax.numpy as jnp
import numpy as np


def setup_inputs(seed: int = 0) -> dict:
    key = jax.random.key(seed)
    k1, k2, k3 = jax.random.split(key, 3)
    probs = jax.random.uniform(k1, (16384, 1000), dtype=jnp.float32)
    targets = jax.random.randint(k2, (16384,), 0, 1000, dtype=jnp.int64 if jax.config.jax_enable_x64 else jnp.int32)
    reward = jax.random.uniform(k3, (16384,), dtype=jnp.float32)
    return {"probs": probs, "targets": targets, "reward": reward}


def reference(probs, targets, reward):
    # Faithful translation of GANLoss.forward (ploss=False path).
    p = probs.reshape(-1, probs.shape[-1])
    t = targets.reshape(-1)
    # one_hot scatter + masked_select is equivalent to gathering one prob per row
    # (row-major masked_select with exactly one True per row).
    sel = jnp.take_along_axis(p, t[:, None], axis=1)[:, 0]
    loss = 1.0 - sel
    loss = loss * reward
    loss = jnp.mean(loss)
    return loss

if __name__ == "__main__":
    import jax
    _d = setup_inputs()
    print(jax.jit(kernel)(*tuple(_d.values())))

</pallas_src>

<mosaic_0001>
#map = affine_map<(d0, d1) -> (0, 0)>
#map1 = affine_map<(d0, d1) -> (0)>
module attributes {stable_mosaic.version = 14 : i64} {
  func.func @_sc_body(%arg0: i32, %arg1: i32, %arg2: memref<16384x1000xf32, #tpu.memory_space<hbm>>, %arg3: memref<16384xi32, #tpu.memory_space<hbm>>, %arg4: memref<16384xf32, #tpu.memory_space<hbm>>, %arg5: memref<32xf32, #tpu.memory_space<hbm>>, %arg6: memref<512xi32, #tpu.memory_space<vmem>>, %arg7: memref<512xf32, #tpu.memory_space<vmem>>, %arg8: memref<16x896xf32, #tpu.memory_space<vmem>>, %arg9: memref<16x896xf32, #tpu.memory_space<vmem>>, %arg10: memref<16xf32, #tpu.memory_space<vmem>>, %arg11: memref<256xf32, #tpu.memory_space<vmem>>, %arg12: memref<256xf32, #tpu.memory_space<vmem_shared>>, %arg13: memref<!tpu.dma_semaphore, #tpu.memory_space<semaphore_mem>>, %arg14: memref<!tpu.dma_semaphore, #tpu.memory_space<semaphore_mem>>) attributes {dimension_semantics = [#tpu.dimension_semantics<core_parallel>, #tpu.dimension_semantics<subcore_parallel>], iteration_bounds = array<i64: 2, 16>, scalar_prefetch = 0 : i64, scratch_operands = 9 : i64, tpu.core_type = #tpu.core_type<sc_vector_subcore>, window_params = [{transform_indices = #map}, {transform_indices = #map1}, {transform_indices = #map1}, {transform_indices = #map1}]} {
    %mul3A = arith.constant 16 : i32
    %mul3A_0 = arith.muli %arg0, %mul3A : i32
    %add3A = arith.addi %mul3A_0, %arg1 : i32
    %mul3A_1 = arith.constant 512 : i32
    %mul3A_2 = arith.muli %add3A, %mul3A_1 : i32
    "tpu.region"() ({
      %run_scoped3A = tpu.sem_alloc : memref<!tpu.dma_semaphore, #tpu.memory_space<semaphore_mem>>
      %dma_start3A_42 = tpu.memref_slice %arg3[%mul3A_2] : memref<16384xi32, #tpu.memory_space<hbm>> -> memref<512xi32, #tpu.memory_space<hbm>>
      %dma_start3A_43 = tpu.memref_slice %arg3[%mul3A_2] : memref<16384xi32, #tpu.memory_space<hbm>> -> memref<512xi32, #tpu.memory_space<hbm>>
      tpu.enqueue_dma source(%dma_start3A_43 : memref<512xi32, #tpu.memory_space<hbm>>) target(%arg6 : memref<512xi32, #tpu.memory_space<vmem>>) target_semaphore(%run_scoped3A : memref<!tpu.dma_semaphore, #tpu.memory_space<semaphore_mem>>)
      %dma_wait3A_44 = tpu.memref_slice %arg3[%mul3A_2] : memref<16384xi32, #tpu.memory_space<hbm>> -> memref<512xi32, #tpu.memory_space<hbm>>
      %dma_wait3A_45 = tpu.memref_slice %arg3[%mul3A_2] : memref<16384xi32, #tpu.memory_space<hbm>> -> memref<512xi32, #tpu.memory_space<hbm>>
      tpu.wait_dma2 semaphore(%run_scoped3A : memref<!tpu.dma_semaphore, #tpu.memory_space<semaphore_mem>>) src(%dma_wait3A_45 : memref<512xi32, #tpu.memory_space<hbm>>) dst(%arg6 : memref<512xi32, #tpu.memory_space<vmem>>)
      tpu.yield
    }) : () -> ()
    "tpu.region"() ({
      %run_scoped3A = tpu.sem_alloc : memref<!tpu.dma_semaphore, #tpu.memory_space<semaphore_mem>>
      %dma_start3A_42 = tpu.memref_slice %arg4[%mul3A_2] : memref<16384xf32, #tpu.memory_space<hbm>> -> memref<512xf32, #tpu.memory_space<hbm>>
      %dma_start3A_43 = tpu.memref_slice %arg4[%mul3A_2] : memref<16384xf32, #tpu.memory_space<hbm>> -> memref<512xf32, #tpu.memory_space<hbm>>
      tpu.enqueue_dma source(%dma_start3A_43 : memref<512xf32, #tpu.memory_space<hbm>>) target(%arg7 : memref<512xf32, #tpu.memory_space<vmem>>) target_semaphore(%run_scoped3A : memref<!tpu.dma_semaphore, #tpu.memory_space<semaphore_mem>>)
      %dma_wait3A_44 = tpu.memref_slice %arg4[%mul3A_2] : memref<16384xf32, #tpu.memory_space<hbm>> -> memref<512xf32, #tpu.memory_space<hbm>>
      %dma_wait3A_45 = tpu.memref_slice %arg4[%mul3A_2] : memref<16384xf32, #tpu.memory_space<hbm>> -> memref<512xf32, #tpu.memory_space<hbm>>
      tpu.wait_dma2 semaphore(%run_scoped3A : memref<!tpu.dma_semaphore, #tpu.memory_space<semaphore_mem>>) src(%dma_wait3A_45 : memref<512xf32, #tpu.memory_space<hbm>>) dst(%arg7 : memref<512xf32, #tpu.memory_space<vmem>>)
      tpu.yield
    }) : () -> ()
    %iota3A = tpu.iota {dimensions = array<i32: 0>} : vector<16xi32>
    %add3A_3 = arith.constant 0 : i32
    %add3A_4 = arith.addi %mul3A_2, %add3A_3 : i32
    %multiple_of3A = tpu.assume_multiple %add3A_4, 8 : i32
    %dma_start3A = arith.constant 0 : i32
    %dma_start3A_5 = tpu.memref_slice %arg2[%multiple_of3A, %dma_start3A] : memref<16384x1000xf32, #tpu.memory_space<hbm>> -> memref<16x896xf32, #tpu.memory_space<hbm>>
    %dma_start3A_6 = arith.constant 0 : i32
    %dma_start3A_7 = tpu.memref_slice %arg2[%multiple_of3A, %dma_start3A_6] : memref<16384x1000xf32, #tpu.memory_space<hbm>> -> memref<16x896xf32, #tpu.memory_space<hbm>>
    tpu.enqueue_dma source(%dma_start3A_7 : memref<16x896xf32, #tpu.memory_space<hbm>>) target(%arg8 : memref<16x896xf32, #tpu.memory_space<vmem>>) target_semaphore(%arg13 : memref<!tpu.dma_semaphore, #tpu.memory_space<semaphore_mem>>)
    %add3A_8 = arith.constant 16 : i32
    %add3A_9 = arith.addi %mul3A_2, %add3A_8 : i32
    %multiple_of3A_10 = tpu.assume_multiple %add3A_9, 8 : i32
    %dma_start3A_11 = arith.constant 0 : i32
    %dma_start3A_12 = tpu.memref_slice %arg2[%multiple_of3A_10, %dma_start3A_11] : memref<16384x1000xf32, #tpu.memory_space<hbm>> -> memref<16x896xf32, #tpu.memory_space<hbm>>
    %dma_start3A_13 = arith.constant 0 : i32
    %dma_start3A_14 = tpu.memref_slice %arg2[%multiple_of3A_10, %dma_start3A_13] : memref<16384x1000xf32, #tpu.memory_space<hbm>> -> memref<16x896xf32, #tpu.memory_space<hbm>>
    tpu.enqueue_dma source(%dma_start3A_14 : memref<16x896xf32, #tpu.memory_space<hbm>>) target(%arg9 : memref<16x896xf32, #tpu.memory_space<vmem>>) target_semaphore(%arg14 : memref<!tpu.dma_semaphore, #tpu.memory_space<semaphore_mem>>)
    %broadcast_in_dim3A = arith.constant 0.000000e+00 : f32
    %broadcast_in_dim3A_15 = vector.broadcast %broadcast_in_dim3A : f32 to vector<16xf32>
    %scan3A = arith.constant 0 : i32
    %scan3A_16 = arith.constant 16 : i32
    %scan3A_17 = arith.addi %scan3A, %scan3A_16 : i32
    %scan3A_18 = arith.constant 1 : i32
    %scan3A_19 = scf.for %scan3A_42 = %scan3A to %scan3A_17 step %scan3A_18 iter_args(%scan3A_43 = %broadcast_in_dim3A_15) -> (vector<16xf32>)  : i32 {
      %mul3A_44 = arith.constant 2 : i32
      %mul3A_45 = arith.muli %mul3A_44, %scan3A_42 : i32
      %add3A_46 = arith.constant 0 : i32
      %add3A_47 = arith.addi %mul3A_45, %add3A_46 : i32
      %dma_wait3A_48 = arith.constant 0 : i32
      %dma_wait3A_49 = arith.constant 0 : i32
      %dma_wait3A_50 = tpu.memref_slice %arg2[%dma_wait3A_48, %dma_wait3A_49] : memref<16384x1000xf32, #tpu.memory_space<hbm>> -> memref<16x896xf32, #tpu.memory_space<hbm>>
      %dma_wait3A_51 = arith.constant 0 : i32
      %dma_wait3A_52 = arith.constant 0 : i32
      %dma_wait3A_53 = tpu.memref_slice %arg2[%dma_wait3A_51, %dma_wait3A_52] : memref<16384x1000xf32, #tpu.memory_space<hbm>> -> memref<16x896xf32, #tpu.memory_space<hbm>>
      tpu.wait_dma2 semaphore(%arg13 : memref<!tpu.dma_semaphore, #tpu.memory_space<semaphore_mem>>) src(%dma_wait3A_53 : memref<16x896xf32, #tpu.memory_space<hbm>>) dst(%arg8 : memref<16x896xf32, #tpu.memory_space<vmem>>)
      %add3A_54 = arith.constant 2 : i32
      %add3A_55 = arith.addi %add3A_47, %add3A_54 : i32
      %min3A = arith.constant 30 : i32
      %min3A_56 = arith.minsi %add3A_55, %min3A : i32
      %mul3A_57 = arith.constant 16 : i32
      %mul3A_58 = arith.muli %min3A_56, %mul3A_57 : i32
      %add3A_59 = arith.addi %mul3A_2, %mul3A_58 : i32
      %multiple_of3A_60 = tpu.assume_multiple %add3A_59, 8 : i32
      %dma_start3A_61 = arith.constant 0 : i32
      %dma_start3A_62 = tpu.memref_slice %arg2[%multiple_of3A_60, %dma_start3A_61] : memref<16384x1000xf32, #tpu.memory_space<hbm>> -> memref<16x896xf32, #tpu.memory_space<hbm>>
      %dma_start3A_63 = arith.constant 0 : i32
      %dma_start3A_64 = tpu.memref_slice %arg2[%multiple_of3A_60, %dma_start3A_63] : memref<16384x1000xf32, #tpu.memory_space<hbm>> -> memref<16x896xf32, #tpu.memory_space<hbm>>
      tpu.enqueue_dma source(%dma_start3A_64 : memref<16x896xf32, #tpu.memory_space<hbm>>) target(%arg8 : memref<16x896xf32, #tpu.memory_space<vmem>>) target_semaphore(%arg13 : memref<!tpu.dma_semaphore, #tpu.memory_space<semaphore_mem>>)
      %mul3A_65 = arith.constant 16 : i32
      %mul3A_66 = arith.muli %add3A_47, %mul3A_65 : i32
      %multiple_of3A_67 = tpu.assume_multiple %mul3A_66, 8 : i32
      %get3A = arith.index_cast %multiple_of3A_67 : i32 to index
      %get3A_68 = tpu.vector_load %arg6[%get3A] {strides = array<i32>} : memref<512xi32, #tpu.memory_space<vmem>>, vector<16xi32>,
      %get3A_69 = vector.shape_cast %get3A_68 : vector<16xi32> to vector<16xi32>
      %get3A_70 = arith.index_cast %multiple_of3A_67 : i32 to index
      %get3A_71 = tpu.vector_load %arg7[%get3A_70] {strides = array<i32>} : memref<512xf32, #tpu.memory_space<vmem>>, vector<16xf32>,
      %get3A_72 = vector.shape_cast %get3A_71 : vector<16xf32> to vector<16xf32>
      %slice3A = vector.extract_strided_slice %get3A_69 {offsets = [0], sizes = [1], strides = [1]} : vector<16xi32> to vector<1xi32>
      %squeeze3A = vector.extract %slice3A[0] : i32 from vector<1xi32>
      %and3A = arith.constant -16 : i32
      %and3A_73 = arith.andi %squeeze3A, %and3A : i32
      %min3A_74 = arith.constant 880 : i32
      %min3A_75 = arith.minsi %and3A_73, %min3A_74 : i32
      %multiple_of3A_76 = tpu.assume_multiple %min3A_75, 16 : i32
      %get3A_77 = arith.constant 0 : i32
      %get3A_78 = arith.index_cast %get3A_77 : i32 to index
      %get3A_79 = arith.index_cast %multiple_of3A_76 : i32 to index
      %get3A_80 = tpu.vector_load %arg8[%get3A_78, %get3A_79] {strides = array<i32>} : memref<16x896xf32, #tpu.memory_space<vmem>>, vector<1x16xf32>,
      %get3A_81 = vector.shape_cast %get3A_80 : vector<1x16xf32> to vector<16xf32>
      %lt3A = arith.constant 896 : i32
      %lt3A_82 = arith.cmpi slt, %squeeze3A, %lt3A : i32
      %slice3A_83 = vector.extract_strided_slice %get3A_72 {offsets = [0], sizes = [1], strides = [1]} : vector<16xf32> to vector<1xf32>
      %squeeze3A_84 = vector.extract %slice3A_83[0] : f32 from vector<1xf32>
      %jit3A = arith.constant 0.000000e+00 : f32
      %select_n3A = arith.select %lt3A_82, %squeeze3A_84, %jit3A : f32
      %and3A_85 = arith.constant 15 : i32
      %and3A_86 = arith.andi %squeeze3A, %and3A_85 : i32
      %eq3A_87 = vector.broadcast %and3A_86 : i32 to vector<16xi32>
      %eq3A_88 = arith.cmpi eq, %iota3A, %eq3A_87 : vector<16xi32>
      %sub3A = arith.constant 1.000000e+00 : f32
      %sub3A_89 = vector.broadcast %sub3A : f32 to vector<16xf32>
      %sub3A_90 = arith.subf %sub3A_89, %get3A_81 : vector<16xf32>
      %mul3A_91 = vector.broadcast %select_n3A : f32 to vector<16xf32>
      %mul3A_92 = arith.mulf %sub3A_90, %mul3A_91 : vector<16xf32>
      %jit3A_93 = arith.constant 0.000000e+00 : f32
      %broadcast_in_dim3A_94 = vector.broadcast %jit3A_93 : f32 to vector<16xf32>
      %select_n3A_95 = arith.select %eq3A_88, %mul3A_92, %broadcast_in_dim3A_94 : vector<16xi1>, vector<16xf32>
      %add3A_96 = arith.addf %scan3A_43, %select_n3A_95 : vector<16xf32>
      %slice3A_97 = vector.extract_strided_slice %get3A_69 {offsets = [1], sizes = [1], strides = [1]} : vector<16xi32> to vector<1xi32>
      %squeeze3A_98 = vector.extract %slice3A_97[0] : i32 from vector<1xi32>
      %and3A_99 = arith.constant -16 : i32
      %and3A_100 = arith.andi %squeeze3A_98, %and3A_99 : i32
      %min3A_101 = arith.constant 880 : i32
      %min3A_102 = arith.minsi %and3A_100, %min3A_101 : i32
      %multiple_of3A_103 = tpu.assume_multiple %min3A_102, 16 : i32
      %get3A_104 = arith.constant 1 : i32
      %get3A_105 = arith.index_cast %get3A_104 : i32 to index
      %get3A_106 = arith.index_cast %multiple_of3A_103 : i32 to index
      %get3A_107 = tpu.vector_load %arg8[%get3A_105, %get3A_106] {strides = array<i32>} : memref<16x896xf32, #tpu.memory_space<vmem>>, vector<1x16xf32>,
      %get3A_108 = vector.shape_cast %get3A_107 : vector<1x16xf32> to vector<16xf32>
      %lt3A_109 = arith.constant 896 : i32
      %lt3A_110 = arith.cmpi slt, %squeeze3A_98, %lt3A_109 : i32
      %slice3A_111 = vector.extract_strided_slice %get3A_72 {offsets = [1], sizes = [1], strides = [1]} : vector<16xf32> to vector<1xf32>
      %squeeze3A_112 = vector.extract %slice3A_111[0] : f32 from vector<1xf32>
      %jit3A_113 = arith.constant 0.000000e+00 : f32
      %select_n3A_114 = arith.select %lt3A_110, %squeeze3A_112, %jit3A_113 : f32
      %and3A_115 = arith.constant 15 : i32
      %and3A_116 = arith.andi %squeeze3A_98, %and3A_115 : i32
      %eq3A_117 = vector.broadcast %and3A_116 : i32 to vector<16xi32>
      %eq3A_118 = arith.cmpi eq, %iota3A, %eq3A_117 : vector<16xi32>
      %sub3A_119 = arith.constant 1.000000e+00 : f32
      %sub3A_120 = vector.broadcast %sub3A_119 : f32 to vector<16xf32>
      %sub3A_121 = arith.subf %sub3A_120, %get3A_108 : vector<16xf32>
      %mul3A_122 = vector.broadcast %select_n3A_114 : f32 to vector<16xf32>
      %mul3A_123 = arith.mulf %sub3A_121, %mul3A_122 : vector<16xf32>
      %jit3A_124 = arith.constant 0.000000e+00 : f32
      %broadcast_in_dim3A_125 = vector.broadcast %jit3A_124 : f32 to vector<16xf32>
      %select_n3A_126 = arith.select %eq3A_118, %mul3A_123, %broadcast_in_dim3A_125 : vector<16xi1>, vector<16xf32>
      %add3A_127 = arith.addf %add3A_96, %select_n3A_126 : vector<16xf32>
      %slice3A_128 = vector.extract_strided_slice %get3A_69 {offsets = [2], sizes = [1], strides = [1]} : vector<16xi32> to vector<1xi32>
      %squeeze3A_129 = vector.extract %slice3A_128[0] : i32 from vector<1xi32>
      %and3A_130 = arith.constant -16 : i32
      %and3A_131 = arith.andi %squeeze3A_129, %and3A_130 : i32
      %min3A_132 = arith.constant 880 : i32
      %min3A_133 = arith.minsi %and3A_131, %min3A_132 : i32
      %multiple_of3A_134 = tpu.assume_multiple %min3A_133, 16 : i32
      %get3A_135 = arith.constant 2 : i32
      %get3A_136 = arith.index_cast %get3A_135 : i32 to index
      %get3A_137 = arith.index_cast %multiple_of3A_134 : i32 to index
      %get3A_138 = tpu.vector_load %arg8[%get3A_136, %get3A_137] {strides = array<i32>} : memref<16x896xf32, #tpu.memory_space<vmem>>, vector<1x16xf32>,
      %get3A_139 = vector.shape_cast %get3A_138 : vector<1x16xf32> to vector<16xf32>
      %lt3A_140 = arith.constant 896 : i32
      %lt3A_141 = arith.cmpi slt, %squeeze3A_129, %lt3A_140 : i32
      %slice3A_142 = vector.extract_strided_slice %get3A_72 {offsets = [2], sizes = [1], strides = [1]} : vector<16xf32> to vector<1xf32>
      %squeeze3A_143 = vector.extract %slice3A_142[0] : f32 from vector<1xf32>
      %jit3A_144 = arith.constant 0.000000e+00 : f32
      %select_n3A_145 = arith.select %lt3A_141, %squeeze3A_143, %jit3A_144 : f32
      %and3A_146 = arith.constant 15 : i32
      %and3A_147 = arith.andi %squeeze3A_129, %and3A_146 : i32
      %eq3A_148 = vector.broadcast %and3A_147 : i32 to vector<16xi32>
      %eq3A_149 = arith.cmpi eq, %iota3A, %eq3A_148 : vector<16xi32>
      %sub3A_150 = arith.constant 1.000000e+00 : f32
      %sub3A_151 = vector.broadcast %sub3A_150 : f32 to vector<16xf32>
      %sub3A_152 = arith.subf %sub3A_151, %get3A_139 : vector<16xf32>
      %mul3A_153 = vector.broadcast %select_n3A_145 : f32 to vector<16xf32>
      %mul3A_154 = arith.mulf %sub3A_152, %mul3A_153 : vector<16xf32>
      %jit3A_155 = arith.constant 0.000000e+00 : f32
      %broadcast_in_dim3A_156 = vector.broadcast %jit3A_155 : f32 to vector<16xf32>
      %select_n3A_157 = arith.select %eq3A_149, %mul3A_154, %broadcast_in_dim3A_156 : vector<16xi1>, vector<16xf32>
      %add3A_158 = arith.addf %add3A_127, %select_n3A_157 : vector<16xf32>
      %slice3A_159 = vector.extract_strided_slice %get3A_69 {offsets = [3], sizes = [1], strides = [1]} : vector<16xi32> to vector<1xi32>
      %squeeze3A_160 = vector.extract %slice3A_159[0] : i32 from vector<1xi32>
      %and3A_161 = arith.constant -16 : i32
      %and3A_162 = arith.andi %squeeze3A_160, %and3A_161 : i32
      %min3A_163 = arith.constant 880 : i32
      %min3A_164 = arith.minsi %and3A_162, %min3A_163 : i32
      %multiple_of3A_165 = tpu.assume_multiple %min3A_164, 16 : i32
      %get3A_166 = arith.constant 3 : i32
      %get3A_167 = arith.index_cast %get3A_166 : i32 to index
      %get3A_168 = arith.index_cast %multiple_of3A_165 : i32 to index
      %get3A_169 = tpu.vector_load %arg8[%get3A_167, %get3A_168] {strides = array<i32>} : memref<16x896xf32, #tpu.memory_space<vmem>>, vector<1x16xf32>,
      %get3A_170 = vector.shape_cast %get3A_169 : vector<1x16xf32> to vector<16xf32>
      %lt3A_171 = arith.constant 896 : i32
      %lt3A_172 = arith.cmpi slt, %squeeze3A_160, %lt3A_171 : i32
      %slice3A_173 = vector.extract_strided_slice %get3A_72 {offsets = [3], sizes = [1], strides = [1]} : vector<16xf32> to vector<1xf32>
      %squeeze3A_174 = vector.extract %slice3A_173[0] : f32 from vector<1xf32>
      %jit3A_175 = arith.constant 0.000000e+00 : f32
      %select_n3A_176 = arith.select %lt3A_172, %squeeze3A_174, %jit3A_175 : f32
      %and3A_177 = arith.constant 15 : i32
      %and3A_178 = arith.andi %squeeze3A_160, %and3A_177 : i32
      %eq3A_179 = vector.broadcast %and3A_178 : i32 to vector<16xi32>
      %eq3A_180 = arith.cmpi eq, %iota3A, %eq3A_179 : vector<16xi32>
      %sub3A_181 = arith.constant 1.000000e+00 : f32
      %sub3A_182 = vector.broadcast %sub3A_181 : f32 to vector<16xf32>
      %sub3A_183 = arith.subf %sub3A_182, %get3A_170 : vector<16xf32>
      %mul3A_184 = vector.broadcast %select_n3A_176 : f32 to vector<16xf32>
      %mul3A_185 = arith.mulf %sub3A_183, %mul3A_184 : vector<16xf32>
      %jit3A_186 = arith.constant 0.000000e+00 : f32
      %broadcast_in_dim3A_187 = vector.broadcast %jit3A_186 : f32 to vector<16xf32>
      %select_n3A_188 = arith.select %eq3A_180, %mul3A_185, %broadcast_in_dim3A_187 : vector<16xi1>, vector<16xf32>
      %add3A_189 = arith.addf %add3A_158, %select_n3A_188 : vector<16xf32>
      %slice3A_190 = vector.extract_strided_slice %get3A_69 {offsets = [4], sizes = [1], strides = [1]} : vector<16xi32> to vector<1xi32>
      %squeeze3A_191 = vector.extract %slice3A_190[0] : i32 from vector<1xi32>
      %and3A_192 = arith.constant -16 : i32
      %and3A_193 = arith.andi %squeeze3A_191, %and3A_192 : i32
      %min3A_194 = arith.constant 880 : i32
      %min3A_195 = arith.minsi %and3A_193, %min3A_194 : i32
      %multiple_of3A_196 = tpu.assume_multiple %min3A_195, 16 : i32
      %get3A_197 = arith.constant 4 : i32
      %get3A_198 = arith.index_cast %get3A_197 : i32 to index
      %get3A_199 = arith.index_cast %multiple_of3A_196 : i32 to index
      %get3A_200 = tpu.vector_load %arg8[%get3A_198, %get3A_199] {strides = array<i32>} : memref<16x896xf32, #tpu.memory_space<vmem>>, vector<1x16xf32>,
      %get3A_201 = vector.shape_cast %get3A_200 : vector<1x16xf32> to vector<16xf32>
      %lt3A_202 = arith.constant 896 : i32
      %lt3A_203 = arith.cmpi slt, %squeeze3A_191, %lt3A_202 : i32
      %slice3A_204 = vector.extract_strided_slice %get3A_72 {offsets = [4], sizes = [1], strides = [1]} : vector<16xf32> to vector<1xf32>
      %squeeze3A_205 = vector.extract %slice3A_204[0] : f32 from vector<1xf32>
      %jit3A_206 = arith.constant 0.000000e+00 : f32
      %select_n3A_207 = arith.select %lt3A_203, %squeeze3A_205, %jit3A_206 : f32
      %and3A_208 = arith.constant 15 : i32
      %and3A_209 = arith.andi %squeeze3A_191, %and3A_208 : i32
      %eq3A_210 = vector.broadcast %and3A_209 : i32 to vector<16xi32>
      %eq3A_211 = arith.cmpi eq, %iota3A, %eq3A_210 : vector<16xi32>
      %sub3A_212 = arith.constant 1.000000e+00 : f32
      %sub3A_213 = vector.broadcast %sub3A_212 : f32 to vector<16xf32>
      %sub3A_214 = arith.subf %sub3A_213, %get3A_201 : vector<16xf32>
      %mul3A_215 = vector.broadcast %select_n3A_207 : f32 to vector<16xf32>
      %mul3A_216 = arith.mulf %sub3A_214, %mul3A_215 : vector<16xf32>
      %jit3A_217 = arith.constant 0.000000e+00 : f32
      %broadcast_in_dim3A_218 = vector.broadcast %jit3A_217 : f32 to vector<16xf32>
      %select_n3A_219 = arith.select %eq3A_211, %mul3A_216, %broadcast_in_dim3A_218 : vector<16xi1>, vector<16xf32>
      %add3A_220 = arith.addf %add3A_189, %select_n3A_219 : vector<16xf32>
      %slice3A_221 = vector.extract_strided_slice %get3A_69 {offsets = [5], sizes = [1], strides = [1]} : vector<16xi32> to vector<1xi32>
      %squeeze3A_222 = vector.extract %slice3A_221[0] : i32 from vector<1xi32>
      %and3A_223 = arith.constant -16 : i32
      %and3A_224 = arith.andi %squeeze3A_222, %and3A_223 : i32
      %min3A_225 = arith.constant 880 : i32
      %min3A_226 = arith.minsi %and3A_224, %min3A_225 : i32
      %multiple_of3A_227 = tpu.assume_multiple %min3A_226, 16 : i32
      %get3A_228 = arith.constant 5 : i32
      %get3A_229 = arith.index_cast %get3A_228 : i32 to index
      %get3A_230 = arith.index_cast %multiple_of3A_227 : i32 to index
      %get3A_231 = tpu.vector_load %arg8[%get3A_229, %get3A_230] {strides = array<i32>} : memref<16x896xf32, #tpu.memory_space<vmem>>, vector<1x16xf32>,
      %get3A_232 = vector.shape_cast %get3A_231 : vector<1x16xf32> to vector<16xf32>
      %lt3A_233 = arith.constant 896 : i32
      %lt3A_234 = arith.cmpi slt, %squeeze3A_222, %lt3A_233 : i32
      %slice3A_235 = vector.extract_strided_slice %get3A_72 {offsets = [5], sizes = [1], strides = [1]} : vector<16xf32> to vector<1xf32>
      %squeeze3A_236 = vector.extract %slice3A_235[0] : f32 from vector<1xf32>
      %jit3A_237 = arith.constant 0.000000e+00 : f32
      %select_n3A_238 = arith.select %lt3A_234, %squeeze3A_236, %jit3A_237 : f32
      %and3A_239 = arith.constant 15 : i32
      %and3A_240 = arith.andi %squeeze3A_222, %and3A_239 : i32
      %eq3A_241 = vector.broadcast %and3A_240 : i32 to vector<16xi32>
      %eq3A_242 = arith.cmpi eq, %iota3A, %eq3A_241 : vector<16xi32>
      %sub3A_243 = arith.constant 1.000000e+00 : f32
      %sub3A_244 = vector.broadcast %sub3A_243 : f32 to vector<16xf32>
      %sub3A_245 = arith.subf %sub3A_244, %get3A_232 : vector<16xf32>
      %mul3A_246 = vector.broadcast %select_n3A_238 : f32 to vector<16xf32>
      %mul3A_247 = arith.mulf %sub3A_245, %mul3A_246 : vector<16xf32>
      %jit3A_248 = arith.constant 0.000000e+00 : f32
      %broadcast_in_dim3A_249 = vector.broadcast %jit3A_248 : f32 to vector<16xf32>
      %select_n3A_250 = arith.select %eq3A_242, %mul3A_247, %broadcast_in_dim3A_249 : vector<16xi1>, vector<16xf32>
      %add3A_251 = arith.addf %add3A_220, %select_n3A_250 : vector<16xf32>
      %slice3A_252 = vector.extract_strided_slice %get3A_69 {offsets = [6], sizes = [1], strides = [1]} : vector<16xi32> to vector<1xi32>
      %squeeze3A_253 = vector.extract %slice3A_252[0] : i32 from vector<1xi32>
      %and3A_254 = arith.constant -16 : i32
      %and3A_255 = arith.andi %squeeze3A_253, %and3A_254 : i32
      %min3A_256 = arith.constant 880 : i32
      %min3A_257 = arith.minsi %and3A_255, %min3A_256 : i32
      %multiple_of3A_258 = tpu.assume_multiple %min3A_257, 16 : i32
      %get3A_259 = arith.constant 6 : i32
      %get3A_260 = arith.index_cast %get3A_259 : i32 to index
      %get3A_261 = arith.index_cast %multiple_of3A_258 : i32 to index
      %get3A_262 = tpu.vector_load %arg8[%get3A_260, %get3A_261] {strides = array<i32>} : memref<16x896xf32, #tpu.memory_space<vmem>>, vector<1x16xf32>,
      %get3A_263 = vector.shape_cast %get3A_262 : vector<1x16xf32> to vector<16xf32>
      %lt3A_264 = arith.constant 896 : i32
      %lt3A_265 = arith.cmpi slt, %squeeze3A_253, %lt3A_264 : i32
      %slice3A_266 = vector.extract_strided_slice %get3A_72 {offsets = [6], sizes = [1], strides = [1]} : vector<16xf32> to vector<1xf32>
      %squeeze3A_267 = vector.extract %slice3A_266[0] : f32 from vector<1xf32>
      %jit3A_268 = arith.constant 0.000000e+00 : f32
      %select_n3A_269 = arith.select %lt3A_265, %squeeze3A_267, %jit3A_268 : f32
      %and3A_270 = arith.constant 15 : i32
      %and3A_271 = arith.andi %squeeze3A_253, %and3A_270 : i32
      %eq3A_272 = vector.broadcast %and3A_271 : i32 to vector<16xi32>
      %eq3A_273 = arith.cmpi eq, %iota3A, %eq3A_272 : vector<16xi32>
      %sub3A_274 = arith.constant 1.000000e+00 : f32
      %sub3A_275 = vector.broadcast %sub3A_274 : f32 to vector<16xf32>
      %sub3A_276 = arith.subf %sub3A_275, %get3A_263 : vector<16xf32>
      %mul3A_277 = vector.broadcast %select_n3A_269 : f32 to vector<16xf32>
      %mul3A_278 = arith.mulf %sub3A_276, %mul3A_277 : vector<16xf32>
      %jit3A_279 = arith.constant 0.000000e+00 : f32
      %broadcast_in_dim3A_280 = vector.broadcast %jit3A_279 : f32 to vector<16xf32>
      %select_n3A_281 = arith.select %eq3A_273, %mul3A_278, %broadcast_in_dim3A_280 : vector<16xi1>, vector<16xf32>
      %add3A_282 = arith.addf %add3A_251, %select_n3A_281 : vector<16xf32>
      %slice3A_283 = vector.extract_strided_slice %get3A_69 {offsets = [7], sizes = [1], strides = [1]} : vector<16xi32> to vector<1xi32>
      %squeeze3A_284 = vector.extract %slice3A_283[0] : i32 from vector<1xi32>
      %and3A_285 = arith.constant -16 : i32
      %and3A_286 = arith.andi %squeeze3A_284, %and3A_285 : i32
      %min3A_287 = arith.constant 880 : i32
      %min3A_288 = arith.minsi %and3A_286, %min3A_287 : i32
      %multiple_of3A_289 = tpu.assume_multiple %min3A_288, 16 : i32
      %get3A_290 = arith.constant 7 : i32
      %get3A_291 = arith.index_cast %get3A_290 : i32 to index
      %get3A_292 = arith.index_cast %multiple_of3A_289 : i32 to index
      %get3A_293 = tpu.vector_load %arg8[%get3A_291, %get3A_292] {strides = array<i32>} : memref<16x896xf32, #tpu.memory_space<vmem>>, vector<1x16xf32>,
      %get3A_294 = vector.shape_cast %get3A_293 : vector<1x16xf32> to vector<16xf32>
      %lt3A_295 = arith.constant 896 : i32
      %lt3A_296 = arith.cmpi slt, %squeeze3A_284, %lt3A_295 : i32
      %slice3A_297 = vector.extract_strided_slice %get3A_72 {offsets = [7], sizes = [1], strides = [1]} : vector<16xf32> to vector<1xf32>
      %squeeze3A_298 = vector.extract %slice3A_297[0] : f32 from vector<1xf32>
      %jit3A_299 = arith.constant 0.000000e+00 : f32
      %select_n3A_300 = arith.select %lt3A_296, %squeeze3A_298, %jit3A_299 : f32
      %and3A_301 = arith.constant 15 : i32
      %and3A_302 = arith.andi %squeeze3A_284, %and3A_301 : i32
      %eq3A_303 = vector.broadcast %and3A_302 : i32 to vector<16xi32>
      %eq3A_304 = arith.cmpi eq, %iota3A, %eq3A_303 : vector<16xi32>
      %sub3A_305 = arith.constant 1.000000e+00 : f32
      %sub3A_306 = vector.broadcast %sub3A_305 : f32 to vector<16xf32>
      %sub3A_307 = arith.subf %sub3A_306, %get3A_294 : vector<16xf32>
      %mul3A_308 = vector.broadcast %select_n3A_300 : f32 to vector<16xf32>
      %mul3A_309 = arith.mulf %sub3A_307, %mul3A_308 : vector<16xf32>
      %jit3A_310 = arith.constant 0.000000e+00 : f32
      %broadcast_in_dim3A_311 = vector.broadcast %jit3A_310 : f32 to vector<16xf32>
      %select_n3A_312 = arith.select %eq3A_304, %mul3A_309, %broadcast_in_dim3A_311 : vector<16xi1>, vector<16xf32>
      %add3A_313 = arith.addf %add3A_282, %select_n3A_312 : vector<16xf32>
      %slice3A_314 = vector.extract_strided_slice %get3A_69 {offsets = [8], sizes = [1], strides = [1]} : vector<16xi32> to vector<1xi32>
      %squeeze3A_315 = vector.extract %slice3A_314[0] : i32 from vector<1xi32>
      %and3A_316 = arith.constant -16 : i32
      %and3A_317 = arith.andi %squeeze3A_315, %and3A_316 : i32
      %min3A_318 = arith.constant 880 : i32
      %min3A_319 = arith.minsi %and3A_317, %min3A_318 : i32
      %multiple_of3A_320 = tpu.assume_multiple %min3A_319, 16 : i32
      %get3A_321 = arith.constant 8 : i32
      %get3A_322 = arith.index_cast %get3A_321 : i32 to index
      %get3A_323 = arith.index_cast %multiple_of3A_320 : i32 to index
      %get3A_324 = tpu.vector_load %arg8[%get3A_322, %get3A_323] {strides = array<i32>} : memref<16x896xf32, #tpu.memory_space<vmem>>, vector<1x16xf32>,
      %get3A_325 = vector.shape_cast %get3A_324 : vector<1x16xf32> to vector<16xf32>
      %lt3A_326 = arith.constant 896 : i32
      %lt3A_327 = arith.cmpi slt, %squeeze3A_315, %lt3A_326 : i32
      %slice3A_328 = vector.extract_strided_slice %get3A_72 {offsets = [8], sizes = [1], strides = [1]} : vector<16xf32> to vector<1xf32>
      %squeeze3A_329 = vector.extract %slice3A_328[0] : f32 from vector<1xf32>
      %jit3A_330 = arith.constant 0.000000e+00 : f32
      %select_n3A_331 = arith.select %lt3A_327, %squeeze3A_329, %jit3A_330 : f32
      %and3A_332 = arith.constant 15 : i32
      %and3A_333 = arith.andi %squeeze3A_315, %and3A_332 : i32
      %eq3A_334 = vector.broadcast %and3A_333 : i32 to vector<16xi32>
      %eq3A_335 = arith.cmpi eq, %iota3A, %eq3A_334 : vector<16xi32>
      %sub3A_336 = arith.constant 1.000000e+00 : f32
      %sub3A_337 = vector.broadcast %sub3A_336 : f32 to vector<16xf32>
      %sub3A_338 = arith.subf %sub3A_337, %get3A_325 : vector<16xf32>
      %mul3A_339 = vector.broadcast %select_n3A_331 : f32 to vector<16xf32>
      %mul3A_340 = arith.mulf %sub3A_338, %mul3A_339 : vector<16xf32>
      %jit3A_341 = arith.constant 0.000000e+00 : f32
      %broadcast_in_dim3A_342 = vector.broadcast %jit3A_341 : f32 to vector<16xf32>
      %select_n3A_343 = arith.select %eq3A_335, %mul3A_340, %broadcast_in_dim3A_342 : vector<16xi1>, vector<16xf32>
      %add3A_344 = arith.addf %add3A_313, %select_n3A_343 : vector<16xf32>
      %slice3A_345 = vector.extract_strided_slice %get3A_69 {offsets = [9], sizes = [1], strides = [1]} : vector<16xi32> to vector<1xi32>
      %squeeze3A_346 = vector.extract %slice3A_345[0] : i32 from vector<1xi32>
      %and3A_347 = arith.constant -16 : i32
      %and3A_348 = arith.andi %squeeze3A_346, %and3A_347 : i32
      %min3A_349 = arith.constant 880 : i32
      %min3A_350 = arith.minsi %and3A_348, %min3A_349 : i32
      %multiple_of3A_351 = tpu.assume_multiple %min3A_350, 16 : i32
      %get3A_352 = arith.constant 9 : i32
      %get3A_353 = arith.index_cast %get3A_352 : i32 to index
      %get3A_354 = arith.index_cast %multiple_of3A_351 : i32 to index
      %get3A_355 = tpu.vector_load %arg8[%get3A_353, %get3A_354] {strides = array<i32>} : memref<16x896xf32, #tpu.memory_space<vmem>>, vector<1x16xf32>,
      %get3A_356 = vector.shape_cast %get3A_355 : vector<1x16xf32> to vector<16xf32>
      %lt3A_357 = arith.constant 896 : i32
      %lt3A_358 = arith.cmpi slt, %squeeze3A_346, %lt3A_357 : i32
      %slice3A_359 = vector.extract_strided_slice %get3A_72 {offsets = [9], sizes = [1], strides = [1]} : vector<16xf32> to vector<1xf32>
      %squeeze3A_360 = vector.extract %slice3A_359[0] : f32 from vector<1xf32>
      %jit3A_361 = arith.constant 0.000000e+00 : f32
      %select_n3A_362 = arith.select %lt3A_358, %squeeze3A_360, %jit3A_361 : f32
      %and3A_363 = arith.constant 15 : i32
      %and3A_364 = arith.andi %squeeze3A_346, %and3A_363 : i32
      %eq3A_365 = vector.broadcast %and3A_364 : i32 to vector<16xi32>
      %eq3A_366 = arith.cmpi eq, %iota3A, %eq3A_365 : vector<16xi32>
      %sub3A_367 = arith.constant 1.000000e+00 : f32
      %sub3A_368 = vector.broadcast %sub3A_367 : f32 to vector<16xf32>
      %sub3A_369 = arith.subf %sub3A_368, %get3A_356 : vector<16xf32>
      %mul3A_370 = vector.broadcast %select_n3A_362 : f32 to vector<16xf32>
      %mul3A_371 = arith.mulf %sub3A_369, %mul3A_370 : vector<16xf32>
      %jit3A_372 = arith.constant 0.000000e+00 : f32
      %broadcast_in_dim3A_373 = vector.broadcast %jit3A_372 : f32 to vector<16xf32>
      %select_n3A_374 = arith.select %eq3A_366, %mul3A_371, %broadcast_in_dim3A_373 : vector<16xi1>, vector<16xf32>
      %add3A_375 = arith.addf %add3A_344, %select_n3A_374 : vector<16xf32>
      %slice3A_376 = vector.extract_strided_slice %get3A_69 {offsets = [10], sizes = [1], strides = [1]} : vector<16xi32> to vector<1xi32>
      %squeeze3A_377 = vector.extract %slice3A_376[0] : i32 from vector<1xi32>
      %and3A_378 = arith.constant -16 : i32
      %and3A_379 = arith.andi %squeeze3A_377, %and3A_378 : i32
      %min3A_380 = arith.constant 880 : i32
      %min3A_381 = arith.minsi %and3A_379, %min3A_380 : i32
      %multiple_of3A_382 = tpu.assume_multiple %min3A_381, 16 : i32
      %get3A_383 = arith.constant 10 : i32
      %get3A_384 = arith.index_cast %get3A_383 : i32 to index
      %get3A_385 = arith.index_cast %multiple_of3A_382 : i32 to index
      %get3A_386 = tpu.vector_load %arg8[%get3A_384, %get3A_385] {strides = array<i32>} : memref<16x896xf32, #tpu.memory_space<vmem>>, vector<1x16xf32>,
      %get3A_387 = vector.shape_cast %get3A_386 : vector<1x16xf32> to vector<16xf32>
      %lt3A_388 = arith.constant 896 : i32
      %lt3A_389 = arith.cmpi slt, %squeeze3A_377, %lt3A_388 : i32
      %slice3A_390 = vector.extract_strided_slice %get3A_72 {offsets = [10], sizes = [1], strides = [1]} : vector<16xf32> to vector<1xf32>
      %squeeze3A_391 = vector.extract %slice3A_390[0] : f32 from vector<1xf32>
      %jit3A_392 = arith.constant 0.000000e+00 : f32
      %select_n3A_393 = arith.select %lt3A_389, %squeeze3A_391, %jit3A_392 : f32
      %and3A_394 = arith.constant 15 : i32
      %and3A_395 = arith.andi %squeeze3A_377, %and3A_394 : i32
      %eq3A_396 = vector.broadcast %and3A_395 : i32 to vector<16xi32>
      %eq3A_397 = arith.cmpi eq, %iota3A, %eq3A_396 : vector<16xi32>
      %sub3A_398 = arith.constant 1.000000e+00 : f32
      %sub3A_399 = vector.broadcast %sub3A_398 : f32 to vector<16xf32>
      %sub3A_400 = arith.subf %sub3A_399, %get3A_387 : vector<16xf32>
      %mul3A_401 = vector.broadcast %select_n3A_393 : f32 to vector<16xf32>
      %mul3A_402 = arith.mulf %sub3A_400, %mul3A_401 : vector<16xf32>
      %jit3A_403 = arith.constant 0.000000e+00 : f32
      %broadcast_in_dim3A_404 = vector.broadcast %jit3A_403 : f32 to vector<16xf32>
      %select_n3A_405 = arith.select %eq3A_397, %mul3A_402, %broadcast_in_dim3A_404 : vector<16xi1>, vector<16xf32>
      %add3A_406 = arith.addf %add3A_375, %select_n3A_405 : vector<16xf32>
      %slice3A_407 = vector.extract_strided_slice %get3A_69 {offsets = [11], sizes = [1], strides = [1]} : vector<16xi32> to vector<1xi32>
      %squeeze3A_408 = vector.extract %slice3A_407[0] : i32 from vector<1xi32>
      %and3A_409 = arith.constant -16 : i32
      %and3A_410 = arith.andi %squeeze3A_408, %and3A_409 : i32
      %min3A_411 = arith.constant 880 : i32
      %min3A_412 = arith.minsi %and3A_410, %min3A_411 : i32
      %multiple_of3A_413 = tpu.assume_multiple %min3A_412, 16 : i32
      %get3A_414 = arith.constant 11 : i32
      %get3A_415 = arith.index_cast %get3A_414 : i32 to index
      %get3A_416 = arith.index_cast %multiple_of3A_413 : i32 to index
      %get3A_417 = tpu.vector_load %arg8[%get3A_415, %get3A_416] {strides = array<i32>} : memref<16x896xf32, #tpu.memory_space<vmem>>, vector<1x16xf32>,
      %get3A_418 = vector.shape_cast %get3A_417 : vector<1x16xf32> to vector<16xf32>
      %lt3A_419 = arith.constant 896 : i32
      %lt3A_420 = arith.cmpi slt, %squeeze3A_408, %lt3A_419 : i32
      %slice3A_421 = vector.extract_strided_slice %get3A_72 {offsets = [11], sizes = [1], strides = [1]} : vector<16xf32> to vector<1xf32>
      %squeeze3A_422 = vector.extract %slice3A_421[0] : f32 from vector<1xf32>
      %jit3A_423 = arith.constant 0.000000e+00 : f32
      %select_n3A_424 = arith.select %lt3A_420, %squeeze3A_422, %jit3A_423 : f32
      %and3A_425 = arith.constant 15 : i32
      %and3A_426 = arith.andi %squeeze3A_408, %and3A_425 : i32
      %eq3A_427 = vector.broadcast %and3A_426 : i32 to vector<16xi32>
      %eq3A_428 = arith.cmpi eq, %iota3A, %eq3A_427 : vector<16xi32>
      %sub3A_429 = arith.constant 1.000000e+00 : f32
      %sub3A_430 = vector.broadcast %sub3A_429 : f32 to vector<16xf32>
      %sub3A_431 = arith.subf %sub3A_430, %get3A_418 : vector<16xf32>
      %mul3A_432 = vector.broadcast %select_n3A_424 : f32 to vector<16xf32>
      %mul3A_433 = arith.mulf %sub3A_431, %mul3A_432 : vector<16xf32>
      %jit3A_434 = arith.constant 0.000000e+00 : f32
      %broadcast_in_dim3A_435 = vector.broadcast %jit3A_434 : f32 to vector<16xf32>
      %select_n3A_436 = arith.select %eq3A_428, %mul3A_433, %broadcast_in_dim3A_435 : vector<16xi1>, vector<16xf32>
      %add3A_437 = arith.addf %add3A_406, %select_n3A_436 : vector<16xf32>
      %slice3A_438 = vector.extract_strided_slice %get3A_69 {offsets = [12], sizes = [1], strides = [1]} : vector<16xi32> to vector<1xi32>
      %squeeze3A_439 = vector.extract %slice3A_438[0] : i32 from vector<1xi32>
      %and3A_440 = arith.constant -16 : i32
      %and3A_441 = arith.andi %squeeze3A_439, %and3A_440 : i32
      %min3A_442 = arith.constant 880 : i32
      %min3A_443 = arith.minsi %and3A_441, %min3A_442 : i32
      %multiple_of3A_444 = tpu.assume_multiple %min3A_443, 16 : i32
      %get3A_445 = arith.constant 12 : i32
      %get3A_446 = arith.index_cast %get3A_445 : i32 to index
      %get3A_447 = arith.index_cast %multiple_of3A_444 : i32 to index
      %get3A_448 = tpu.vector_load %arg8[%get3A_446, %get3A_447] {strides = array<i32>} : memref<16x896xf32, #tpu.memory_space<vmem>>, vector<1x16xf32>,
      %get3A_449 = vector.shape_cast %get3A_448 : vector<1x16xf32> to vector<16xf32>
      %lt3A_450 = arith.constant 896 : i32
      %lt3A_451 = arith.cmpi slt, %squeeze3A_439, %lt3A_450 : i32
      %slice3A_452 = vector.extract_strided_slice %get3A_72 {offsets = [12], sizes = [1], strides = [1]} : vector<16xf32> to vector<1xf32>
      %squeeze3A_453 = vector.extract %slice3A_452[0] : f32 from vector<1xf32>
      %jit3A_454 = arith.constant 0.000000e+00 : f32
      %select_n3A_455 = arith.select %lt3A_451, %squeeze3A_453, %jit3A_454 : f32
      %and3A_456 = arith.constant 15 : i32
      %and3A_457 = arith.andi %squeeze3A_439, %and3A_456 : i32
      %eq3A_458 = vector.broadcast %and3A_457 : i32 to vector<16xi32>
      %eq3A_459 = arith.cmpi eq, %iota3A, %eq3A_458 : vector<16xi32>
      %sub3A_460 = arith.constant 1.000000e+00 : f32
      %sub3A_461 = vector.broadcast %sub3A_460 : f32 to vector<16xf32>
      %sub3A_462 = arith.subf %sub3A_461, %get3A_449 : vector<16xf32>
      %mul3A_463 = vector.broadcast %select_n3A_455 : f32 to vector<16xf32>
      %mul3A_464 = arith.mulf %sub3A_462, %mul3A_463 : vector<16xf32>
      %jit3A_465 = arith.constant 0.000000e+00 : f32
      %broadcast_in_dim3A_466 = vector.broadcast %jit3A_465 : f32 to vector<16xf32>
      %select_n3A_467 = arith.select %eq3A_459, %mul3A_464, %broadcast_in_dim3A_466 : vector<16xi1>, vector<16xf32>
      %add3A_468 = arith.addf %add3A_437, %select_n3A_467 : vector<16xf32>
      %slice3A_469 = vector.extract_strided_slice %get3A_69 {offsets = [13], sizes = [1], strides = [1]} : vector<16xi32> to vector<1xi32>
      %squeeze3A_470 = vector.extract %slice3A_469[0] : i32 from vector<1xi32>
      %and3A_471 = arith.constant -16 : i32
      %and3A_472 = arith.andi %squeeze3A_470, %and3A_471 : i32
      %min3A_473 = arith.constant 880 : i32
      %min3A_474 = arith.minsi %and3A_472, %min3A_473 : i32
      %multiple_of3A_475 = tpu.assume_multiple %min3A_474, 16 : i32
      %get3A_476 = arith.constant 13 : i32
      %get3A_477 = arith.index_cast %get3A_476 : i32 to index
      %get3A_478 = arith.index_cast %multiple_of3A_475 : i32 to index
      %get3A_479 = tpu.vector_load %arg8[%get3A_477, %get3A_478] {strides = array<i32>} : memref<16x896xf32, #tpu.memory_space<vmem>>, vector<1x16xf32>,
      %get3A_480 = vector.shape_cast %get3A_479 : vector<1x16xf32> to vector<16xf32>
      %lt3A_481 = arith.constant 896 : i32
      %lt3A_482 = arith.cmpi slt, %squeeze3A_470, %lt3A_481 : i32
      %slice3A_483 = vector.extract_strided_slice %get3A_72 {offsets = [13], sizes = [1], strides = [1]} : vector<16xf32> to vector<1xf32>
      %squeeze3A_484 = vector.extract %slice3A_483[0] : f32 from vector<1xf32>
      %jit3A_485 = arith.constant 0.000000e+00 : f32
      %select_n3A_486 = arith.select %lt3A_482, %squeeze3A_484, %jit3A_485 : f32
      %and3A_487 = arith.constant 15 : i32
      %and3A_488 = arith.andi %squeeze3A_470, %and3A_487 : i32
      %eq3A_489 = vector.broadcast %and3A_488 : i32 to vector<16xi32>
      %eq3A_490 = arith.cmpi eq, %iota3A, %eq3A_489 : vector<16xi32>
      %sub3A_491 = arith.constant 1.000000e+00 : f32
      %sub3A_492 = vector.broadcast %sub3A_491 : f32 to vector<16xf32>
      %sub3A_493 = arith.subf %sub3A_492, %get3A_480 : vector<16xf32>
      %mul3A_494 = vector.broadcast %select_n3A_486 : f32 to vector<16xf32>
      %mul3A_495 = arith.mulf %sub3A_493, %mul3A_494 : vector<16xf32>
      %jit3A_496 = arith.constant 0.000000e+00 : f32
      %broadcast_in_dim3A_497 = vector.broadcast %jit3A_496 : f32 to vector<16xf32>
      %select_n3A_498 = arith.select %eq3A_490, %mul3A_495, %broadcast_in_dim3A_497 : vector<16xi1>, vector<16xf32>
      %add3A_499 = arith.addf %add3A_468, %select_n3A_498 : vector<16xf32>
      %slice3A_500 = vector.extract_strided_slice %get3A_69 {offsets = [14], sizes = [1], strides = [1]} : vector<16xi32> to vector<1xi32>
      %squeeze3A_501 = vector.extract %slice3A_500[0] : i32 from vector<1xi32>
      %and3A_502 = arith.constant -16 : i32
      %and3A_503 = arith.andi %squeeze3A_501, %and3A_502 : i32
      %min3A_504 = arith.constant 880 : i32
      %min3A_505 = arith.minsi %and3A_503, %min3A_504 : i32
      %multiple_of3A_506 = tpu.assume_multiple %min3A_505, 16 : i32
      %get3A_507 = arith.constant 14 : i32
      %get3A_508 = arith.index_cast %get3A_507 : i32 to index
      %get3A_509 = arith.index_cast %multiple_of3A_506 : i32 to index
      %get3A_510 = tpu.vector_load %arg8[%get3A_508, %get3A_509] {strides = array<i32>} : memref<16x896xf32, #tpu.memory_space<vmem>>, vector<1x16xf32>,
      %get3A_511 = vector.shape_cast %get3A_510 : vector<1x16xf32> to vector<16xf32>
      %lt3A_512 = arith.constant 896 : i32
      %lt3A_513 = arith.cmpi slt, %squeeze3A_501, %lt3A_512 : i32
      %slice3A_514 = vector.extract_strided_slice %get3A_72 {offsets = [14], sizes = [1], strides = [1]} : vector<16xf32> to vector<1xf32>
      %squeeze3A_515 = vector.extract %slice3A_514[0] : f32 from vector<1xf32>
      %jit3A_516 = arith.constant 0.000000e+00 : f32
      %select_n3A_517 = arith.select %lt3A_513, %squeeze3A_515, %jit3A_516 : f32
      %and3A_518 = arith.constant 15 : i32
      %and3A_519 = arith.andi %squeeze3A_501, %and3A_518 : i32
      %eq3A_520 = vector.broadcast %and3A_519 : i32 to vector<16xi32>
      %eq3A_521 = arith.cmpi eq, %iota3A, %eq3A_520 : vector<16xi32>
      %sub3A_522 = arith.constant 1.000000e+00 : f32
      %sub3A_523 = vector.broadcast %sub3A_522 : f32 to vector<16xf32>
      %sub3A_524 = arith.subf %sub3A_523, %get3A_511 : vector<16xf32>
      %mul3A_525 = vector.broadcast %select_n3A_517 : f32 to vector<16xf32>
      %mul3A_526 = arith.mulf %sub3A_524, %mul3A_525 : vector<16xf32>
      %jit3A_527 = arith.constant 0.000000e+00 : f32
      %broadcast_in_dim3A_528 = vector.broadcast %jit3A_527 : f32 to vector<16xf32>
      %select_n3A_529 = arith.select %eq3A_521, %mul3A_526, %broadcast_in_dim3A_528 : vector<16xi1>, vector<16xf32>
      %add3A_530 = arith.addf %add3A_499, %select_n3A_529 : vector<16xf32>
      %slice3A_531 = vector.extract_strided_slice %get3A_69 {offsets = [15], sizes = [1], strides = [1]} : vector<16xi32> to vector<1xi32>
      %squeeze3A_532 = vector.extract %slice3A_531[0] : i32 from vector<1xi32>
      %and3A_533 = arith.constant -16 : i32
      %and3A_534 = arith.andi %squeeze3A_532, %and3A_533 : i32
      %min3A_535 = arith.constant 880 : i32
      %min3A_536 = arith.minsi %and3A_534, %min3A_535 : i32
      %multiple_of3A_537 = tpu.assume_multiple %min3A_536, 16 : i32
      %get3A_538 = arith.constant 15 : i32
      %get3A_539 = arith.index_cast %get3A_538 : i32 to index
      %get3A_540 = arith.index_cast %multiple_of3A_537 : i32 to index
      %get3A_541 = tpu.vector_load %arg8[%get3A_539, %get3A_540] {strides = array<i32>} : memref<16x896xf32, #tpu.memory_space<vmem>>, vector<1x16xf32>,
      %get3A_542 = vector.shape_cast %get3A_541 : vector<1x16xf32> to vector<16xf32>
      %lt3A_543 = arith.constant 896 : i32
      %lt3A_544 = arith.cmpi slt, %squeeze3A_532, %lt3A_543 : i32
      %slice3A_545 = vector.extract_strided_slice %get3A_72 {offsets = [15], sizes = [1], strides = [1]} : vector<16xf32> to vector<1xf32>
      %squeeze3A_546 = vector.extract %slice3A_545[0] : f32 from vector<1xf32>
      %jit3A_547 = arith.constant 0.000000e+00 : f32
      %select_n3A_548 = arith.select %lt3A_544, %squeeze3A_546, %jit3A_547 : f32
      %and3A_549 = arith.constant 15 : i32
      %and3A_550 = arith.andi %squeeze3A_532, %and3A_549 : i32
      %eq3A_551 = vector.broadcast %and3A_550 : i32 to vector<16xi32>
      %eq3A_552 = arith.cmpi eq, %iota3A, %eq3A_551 : vector<16xi32>
      %sub3A_553 = arith.constant 1.000000e+00 : f32
      %sub3A_554 = vector.broadcast %sub3A_553 : f32 to vector<16xf32>
      %sub3A_555 = arith.subf %sub3A_554, %get3A_542 : vector<16xf32>
      %mul3A_556 = vector.broadcast %select_n3A_548 : f32 to vector<16xf32>
      %mul3A_557 = arith.mulf %sub3A_555, %mul3A_556 : vector<16xf32>
      %jit3A_558 = arith.constant 0.000000e+00 : f32
      %broadcast_in_dim3A_559 = vector.broadcast %jit3A_558 : f32 to vector<16xf32>
      %select_n3A_560 = arith.select %eq3A_552, %mul3A_557, %broadcast_in_dim3A_559 : vector<16xi1>, vector<16xf32>
      %add3A_561 = arith.addf %add3A_530, %select_n3A_560 : vector<16xf32>
      %mul3A_562 = arith.constant 2 : i32
      %mul3A_563 = arith.muli %mul3A_562, %scan3A_42 : i32
      %add3A_564 = arith.constant 1 : i32
      %add3A_565 = arith.addi %mul3A_563, %add3A_564 : i32
      %dma_wait3A_566 = arith.constant 0 : i32
      %dma_wait3A_567 = arith.constant 0 : i32
      %dma_wait3A_568 = tpu.memref_slice %arg2[%dma_wait3A_566, %dma_wait3A_567] : memref<16384x1000xf32, #tpu.memory_space<hbm>> -> memref<16x896xf32, #tpu.memory_space<hbm>>
      %dma_wait3A_569 = arith.constant 0 : i32
      %dma_wait3A_570 = arith.constant 0 : i32
      %dma_wait3A_571 = tpu.memref_slice %arg2[%dma_wait3A_569, %dma_wait3A_570] : memref<16384x1000xf32, #tpu.memory_space<hbm>> -> memref<16x896xf32, #tpu.memory_space<hbm>>
      tpu.wait_dma2 semaphore(%arg14 : memref<!tpu.dma_semaphore, #tpu.memory_space<semaphore_mem>>) src(%dma_wait3A_571 : memref<16x896xf32, #tpu.memory_space<hbm>>) dst(%arg9 : memref<16x896xf32, #tpu.memory_space<vmem>>)
      %add3A_572 = arith.constant 2 : i32
      %add3A_573 = arith.addi %add3A_565, %add3A_572 : i32
      %min3A_574 = arith.constant 31 : i32
      %min3A_575 = arith.minsi %add3A_573, %min3A_574 : i32
      %mul3A_576 = arith.constant 16 : i32
      %mul3A_577 = arith.muli %min3A_575, %mul3A_576 : i32
      %add3A_578 = arith.addi %mul3A_2, %mul3A_577 : i32
      %multiple_of3A_579 = tpu.assume_multiple %add3A_578, 8 : i32
      %dma_start3A_580 = arith.constant 0 : i32
      %dma_start3A_581 = tpu.memref_slice %arg2[%multiple_of3A_579, %dma_start3A_580] : memref<16384x1000xf32, #tpu.memory_space<hbm>> -> memref<16x896xf32, #tpu.memory_space<hbm>>
      %dma_start3A_582 = arith.constant 0 : i32
      %dma_start3A_583 = tpu.memref_slice %arg2[%multiple_of3A_579, %dma_start3A_582] : memref<16384x1000xf32, #tpu.memory_space<hbm>> -> memref<16x896xf32, #tpu.memory_space<hbm>>
      tpu.enqueue_dma source(%dma_start3A_583 : memref<16x896xf32, #tpu.memory_space<hbm>>) target(%arg9 : memref<16x896xf32, #tpu.memory_space<vmem>>) target_semaphore(%arg14 : memref<!tpu.dma_semaphore, #tpu.memory_space<semaphore_mem>>)
      %mul3A_584 = arith.constant 16 : i32
      %mul3A_585 = arith.muli %add3A_565, %mul3A_584 : i32
      %multiple_of3A_586 = tpu.assume_multiple %mul3A_585, 8 : i32
      %get3A_587 = arith.index_cast %multiple_of3A_586 : i32 to index
      %get3A_588 = tpu.vector_load %arg6[%get3A_587] {strides = array<i32>} : memref<512xi32, #tpu.memory_space<vmem>>, vector<16xi32>,
      %get3A_589 = vector.shape_cast %get3A_588 : vector<16xi32> to vector<16xi32>
      %get3A_590 = arith.index_cast %multiple_of3A_586 : i32 to index
      %get3A_591 = tpu.vector_load %arg7[%get3A_590] {strides = array<i32>} : memref<512xf32, #tpu.memory_space<vmem>>, vector<16xf32>,
      %get3A_592 = vector.shape_cast %get3A_591 : vector<16xf32> to vector<16xf32>
      %slice3A_593 = vector.extract_strided_slice %get3A_589 {offsets = [0], sizes = [1], strides = [1]} : vector<16xi32> to vector<1xi32>
      %squeeze3A_594 = vector.extract %slice3A_593[0] : i32 from vector<1xi32>
      %and3A_595 = arith.constant -16 : i32
      %and3A_596 = arith.andi %squeeze3A_594, %and3A_595 : i32
      %min3A_597 = arith.constant 880 : i32
      %min3A_598 = arith.minsi %and3A_596, %min3A_597 : i32
      %multiple_of3A_599 = tpu.assume_multiple %min3A_598, 16 : i32
      %get3A_600 = arith.constant 0 : i32
      %get3A_601 = arith.index_cast %get3A_600 : i32 to index
      %get3A_602 = arith.index_cast %multiple_of3A_599 : i32 to index
      %get3A_603 = tpu.vector_load %arg9[%get3A_601, %get3A_602] {strides = array<i32>} : memref<16x896xf32, #tpu.memory_space<vmem>>, vector<1x16xf32>,
      %get3A_604 = vector.shape_cast %get3A_603 : vector<1x16xf32> to vector<16xf32>
      %lt3A_605 = arith.constant 896 : i32
      %lt3A_606 = arith.cmpi slt, %squeeze3A_594, %lt3A_605 : i32
      %slice3A_607 = vector.extract_strided_slice %get3A_592 {offsets = [0], sizes = [1], strides = [1]} : vector<16xf32> to vector<1xf32>
      %squeeze3A_608 = vector.extract %slice3A_607[0] : f32 from vector<1xf32>
      %jit3A_609 = arith.constant 0.000000e+00 : f32
      %select_n3A_610 = arith.select %lt3A_606, %squeeze3A_608, %jit3A_609 : f32
      %and3A_611 = arith.constant 15 : i32
      %and3A_612 = arith.andi %squeeze3A_594, %and3A_611 : i32
      %eq3A_613 = vector.broadcast %and3A_612 : i32 to vector<16xi32>
      %eq3A_614 = arith.cmpi eq, %iota3A, %eq3A_613 : vector<16xi32>
      %sub3A_615 = arith.constant 1.000000e+00 : f32
      %sub3A_616 = vector.broadcast %sub3A_615 : f32 to vector<16xf32>
      %sub3A_617 = arith.subf %sub3A_616, %get3A_604 : vector<16xf32>
      %mul3A_618 = vector.broadcast %select_n3A_610 : f32 to vector<16xf32>
      %mul3A_619 = arith.mulf %sub3A_617, %mul3A_618 : vector<16xf32>
      %jit3A_620 = arith.constant 0.000000e+00 : f32
      %broadcast_in_dim3A_621 = vector.broadcast %jit3A_620 : f32 to vector<16xf32>
      %select_n3A_622 = arith.select %eq3A_614, %mul3A_619, %broadcast_in_dim3A_621 : vector<16xi1>, vector<16xf32>
      %add3A_623 = arith.addf %add3A_561, %select_n3A_622 : vector<16xf32>
      %slice3A_624 = vector.extract_strided_slice %get3A_589 {offsets = [1], sizes = [1], strides = [1]} : vector<16xi32> to vector<1xi32>
      %squeeze3A_625 = vector.extract %slice3A_624[0] : i32 from vector<1xi32>
      %and3A_626 = arith.constant -16 : i32
      %and3A_627 = arith.andi %squeeze3A_625, %and3A_626 : i32
      %min3A_628 = arith.constant 880 : i32
      %min3A_629 = arith.minsi %and3A_627, %min3A_628 : i32
      %multiple_of3A_630 = tpu.assume_multiple %min3A_629, 16 : i32
      %get3A_631 = arith.constant 1 : i32
      %get3A_632 = arith.index_cast %get3A_631 : i32 to index
      %get3A_633 = arith.index_cast %multiple_of3A_630 : i32 to index
      %get3A_634 = tpu.vector_load %arg9[%get3A_632, %get3A_633] {strides = array<i32>} : memref<16x896xf32, #tpu.memory_space<vmem>>, vector<1x16xf32>,
      %get3A_635 = vector.shape_cast %get3A_634 : vector<1x16xf32> to vector<16xf32>
      %lt3A_636 = arith.constant 896 : i32
      %lt3A_637 = arith.cmpi slt, %squeeze3A_625, %lt3A_636 : i32
      %slice3A_638 = vector.extract_strided_slice %get3A_592 {offsets = [1], sizes = [1], strides = [1]} : vector<16xf32> to vector<1xf32>
      %squeeze3A_639 = vector.extract %slice3A_638[0] : f32 from vector<1xf32>
      %jit3A_640 = arith.constant 0.000000e+00 : f32
      %select_n3A_641 = arith.select %lt3A_637, %squeeze3A_639, %jit3A_640 : f32
      %and3A_642 = arith.constant 15 : i32
      %and3A_643 = arith.andi %squeeze3A_625, %and3A_642 : i32
      %eq3A_644 = vector.broadcast %and3A_643 : i32 to vector<16xi32>
      %eq3A_645 = arith.cmpi eq, %iota3A, %eq3A_644 : vector<16xi32>
      %sub3A_646 = arith.constant 1.000000e+00 : f32
      %sub3A_647 = vector.broadcast %sub3A_646 : f32 to vector<16xf32>
      %sub3A_648 = arith.subf %sub3A_647, %get3A_635 : vector<16xf32>
      %mul3A_649 = vector.broadcast %select_n3A_641 : f32 to vector<16xf32>
      %mul3A_650 = arith.mulf %sub3A_648, %mul3A_649 : vector<16xf32>
      %jit3A_651 = arith.constant 0.000000e+00 : f32
      %broadcast_in_dim3A_652 = vector.broadcast %jit3A_651 : f32 to vector<16xf32>
      %select_n3A_653 = arith.select %eq3A_645, %mul3A_650, %broadcast_in_dim3A_652 : vector<16xi1>, vector<16xf32>
      %add3A_654 = arith.addf %add3A_623, %select_n3A_653 : vector<16xf32>
      %slice3A_655 = vector.extract_strided_slice %get3A_589 {offsets = [2], sizes = [1], strides = [1]} : vector<16xi32> to vector<1xi32>
      %squeeze3A_656 = vector.extract %slice3A_655[0] : i32 from vector<1xi32>
      %and3A_657 = arith.constant -16 : i32
      %and3A_658 = arith.andi %squeeze3A_656, %and3A_657 : i32
      %min3A_659 = arith.constant 880 : i32
      %min3A_660 = arith.minsi %and3A_658, %min3A_659 : i32
      %multiple_of3A_661 = tpu.assume_multiple %min3A_660, 16 : i32
      %get3A_662 = arith.constant 2 : i32
      %get3A_663 = arith.index_cast %get3A_662 : i32 to index
      %get3A_664 = arith.index_cast %multiple_of3A_661 : i32 to index
      %get3A_665 = tpu.vector_load %arg9[%get3A_663, %get3A_664] {strides = array<i32>} : memref<16x896xf32, #tpu.memory_space<vmem>>, vector<1x16xf32>,
      %get3A_666 = vector.shape_cast %get3A_665 : vector<1x16xf32> to vector<16xf32>
      %lt3A_667 = arith.constant 896 : i32
      %lt3A_668 = arith.cmpi slt, %squeeze3A_656, %lt3A_667 : i32
      %slice3A_669 = vector.extract_strided_slice %get3A_592 {offsets = [2], sizes = [1], strides = [1]} : vector<16xf32> to vector<1xf32>
      %squeeze3A_670 = vector.extract %slice3A_669[0] : f32 from vector<1xf32>
      %jit3A_671 = arith.constant 0.000000e+00 : f32
      %select_n3A_672 = arith.select %lt3A_668, %squeeze3A_670, %jit3A_671 : f32
      %and3A_673 = arith.constant 15 : i32
      %and3A_674 = arith.andi %squeeze3A_656, %and3A_673 : i32
      %eq3A_675 = vector.broadcast %and3A_674 : i32 to vector<16xi32>
      %eq3A_676 = arith.cmpi eq, %iota3A, %eq3A_675 : vector<16xi32>
      %sub3A_677 = arith.constant 1.000000e+00 : f32
      %sub3A_678 = vector.broadcast %sub3A_677 : f32 to vector<16xf32>
      %sub3A_679 = arith.subf %sub3A_678, %get3A_666 : vector<16xf32>
      %mul3A_680 = vector.broadcast %select_n3A_672 : f32 to vector<16xf32>
      %mul3A_681 = arith.mulf %sub3A_679, %mul3A_680 : vector<16xf32>
      %jit3A_682 = arith.constant 0.000000e+00 : f32
      %broadcast_in_dim3A_683 = vector.broadcast %jit3A_682 : f32 to vector<16xf32>
      %select_n3A_684 = arith.select %eq3A_676, %mul3A_681, %broadcast_in_dim3A_683 : vector<16xi1>, vector<16xf32>
      %add3A_685 = arith.addf %add3A_654, %select_n3A_684 : vector<16xf32>
      %slice3A_686 = vector.extract_strided_slice %get3A_589 {offsets = [3], sizes = [1], strides = [1]} : vector<16xi32> to vector<1xi32>
      %squeeze3A_687 = vector.extract %slice3A_686[0] : i32 from vector<1xi32>
      %and3A_688 = arith.constant -16 : i32
      %and3A_689 = arith.andi %squeeze3A_687, %and3A_688 : i32
      %min3A_690 = arith.constant 880 : i32
      %min3A_691 = arith.minsi %and3A_689, %min3A_690 : i32
      %multiple_of3A_692 = tpu.assume_multiple %min3A_691, 16 : i32
      %get3A_693 = arith.constant 3 : i32
      %get3A_694 = arith.index_cast %get3A_693 : i32 to index
      %get3A_695 = arith.index_cast %multiple_of3A_692 : i32 to index
      %get3A_696 = tpu.vector_load %arg9[%get3A_694, %get3A_695] {strides = array<i32>} : memref<16x896xf32, #tpu.memory_space<vmem>>, vector<1x16xf32>,
      %get3A_697 = vector.shape_cast %get3A_696 : vector<1x16xf32> to vector<16xf32>
      %lt3A_698 = arith.constant 896 : i32
      %lt3A_699 = arith.cmpi slt, %squeeze3A_687, %lt3A_698 : i32
      %slice3A_700 = vector.extract_strided_slice %get3A_592 {offsets = [3], sizes = [1], strides = [1]} : vector<16xf32> to vector<1xf32>
      %squeeze3A_701 = vector.extract %slice3A_700[0] : f32 from vector<1xf32>
      %jit3A_702 = arith.constant 0.000000e+00 : f32
      %select_n3A_703 = arith.select %lt3A_699, %squeeze3A_701, %jit3A_702 : f32
      %and3A_704 = arith.constant 15 : i32
      %and3A_705 = arith.andi %squeeze3A_687, %and3A_704 : i32
      %eq3A_706 = vector.broadcast %and3A_705 : i32 to vector<16xi32>
      %eq3A_707 = arith.cmpi eq, %iota3A, %eq3A_706 : vector<16xi32>
      %sub3A_708 = arith.constant 1.000000e+00 : f32
      %sub3A_709 = vector.broadcast %sub3A_708 : f32 to vector<16xf32>
      %sub3A_710 = arith.subf %sub3A_709, %get3A_697 : vector<16xf32>
      %mul3A_711 = vector.broadcast %select_n3A_703 : f32 to vector<16xf32>
      %mul3A_712 = arith.mulf %sub3A_710, %mul3A_711 : vector<16xf32>
      %jit3A_713 = arith.constant 0.000000e+00 : f32
      %broadcast_in_dim3A_714 = vector.broadcast %jit3A_713 : f32 to vector<16xf32>
      %select_n3A_715 = arith.select %eq3A_707, %mul3A_712, %broadcast_in_dim3A_714 : vector<16xi1>, vector<16xf32>
      %add3A_716 = arith.addf %add3A_685, %select_n3A_715 : vector<16xf32>
      %slice3A_717 = vector.extract_strided_slice %get3A_589 {offsets = [4], sizes = [1], strides = [1]} : vector<16xi32> to vector<1xi32>
      %squeeze3A_718 = vector.extract %slice3A_717[0] : i32 from vector<1xi32>
      %and3A_719 = arith.constant -16 : i32
      %and3A_720 = arith.andi %squeeze3A_718, %and3A_719 : i32
      %min3A_721 = arith.constant 880 : i32
      %min3A_722 = arith.minsi %and3A_720, %min3A_721 : i32
      %multiple_of3A_723 = tpu.assume_multiple %min3A_722, 16 : i32
      %get3A_724 = arith.constant 4 : i32
      %get3A_725 = arith.index_cast %get3A_724 : i32 to index
      %get3A_726 = arith.index_cast %multiple_of3A_723 : i32 to index
      %get3A_727 = tpu.vector_load %arg9[%get3A_725, %get3A_726] {strides = array<i32>} : memref<16x896xf32, #tpu.memory_space<vmem>>, vector<1x16xf32>,
      %get3A_728 = vector.shape_cast %get3A_727 : vector<1x16xf32> to vector<16xf32>
      %lt3A_729 = arith.constant 896 : i32
      %lt3A_730 = arith.cmpi slt, %squeeze3A_718, %lt3A_729 : i32
      %slice3A_731 = vector.extract_strided_slice %get3A_592 {offsets = [4], sizes = [1], strides = [1]} : vector<16xf32> to vector<1xf32>
      %squeeze3A_732 = vector.extract %slice3A_731[0] : f32 from vector<1xf32>
      %jit3A_733 = arith.constant 0.000000e+00 : f32
      %select_n3A_734 = arith.select %lt3A_730, %squeeze3A_732, %jit3A_733 : f32
      %and3A_735 = arith.constant 15 : i32
      %and3A_736 = arith.andi %squeeze3A_718, %and3A_735 : i32
      %eq3A_737 = vector.broadcast %and3A_736 : i32 to vector<16xi32>
      %eq3A_738 = arith.cmpi eq, %iota3A, %eq3A_737 : vector<16xi32>
      %sub3A_739 = arith.constant 1.000000e+00 : f32
      %sub3A_740 = vector.broadcast %sub3A_739 : f32 to vector<16xf32>
      %sub3A_741 = arith.subf %sub3A_740, %get3A_728 : vector<16xf32>
      %mul3A_742 = vector.broadcast %select_n3A_734 : f32 to vector<16xf32>
      %mul3A_743 = arith.mulf %sub3A_741, %mul3A_742 : vector<16xf32>
      %jit3A_744 = arith.constant 0.000000e+00 : f32
      %broadcast_in_dim3A_745 = vector.broadcast %jit3A_744 : f32 to vector<16xf32>
      %select_n3A_746 = arith.select %eq3A_738, %mul3A_743, %broadcast_in_dim3A_745 : vector<16xi1>, vector<16xf32>
      %add3A_747 = arith.addf %add3A_716, %select_n3A_746 : vector<16xf32>
      %slice3A_748 = vector.extract_strided_slice %get3A_589 {offsets = [5], sizes = [1], strides = [1]} : vector<16xi32> to vector<1xi32>
      %squeeze3A_749 = vector.extract %slice3A_748[0] : i32 from vector<1xi32>
      %and3A_750 = arith.constant -16 : i32
      %and3A_751 = arith.andi %squeeze3A_749, %and3A_750 : i32
      %min3A_752 = arith.constant 880 : i32
      %min3A_753 = arith.minsi %and3A_751, %min3A_752 : i32
      %multiple_of3A_754 = tpu.assume_multiple %min3A_753, 16 : i32
      %get3A_755 = arith.constant 5 : i32
      %get3A_756 = arith.index_cast %get3A_755 : i32 to index
      %get3A_757 = arith.index_cast %multiple_of3A_754 : i32 to index
      %get3A_758 = tpu.vector_load %arg9[%get3A_756, %get3A_757] {strides = array<i32>} : memref<16x896xf32, #tpu.memory_space<vmem>>, vector<1x16xf32>,
      %get3A_759 = vector.shape_cast %get3A_758 : vector<1x16xf32> to vector<16xf32>
      %lt3A_760 = arith.constant 896 : i32
      %lt3A_761 = arith.cmpi slt, %squeeze3A_749, %lt3A_760 : i32
      %slice3A_762 = vector.extract_strided_slice %get3A_592 {offsets = [5], sizes = [1], strides = [1]} : vector<16xf32> to vector<1xf32>
      %squeeze3A_763 = vector.extract %slice3A_762[0] : f32 from vector<1xf32>
      %jit3A_764 = arith.constant 0.000000e+00 : f32
      %select_n3A_765 = arith.select %lt3A_761, %squeeze3A_763, %jit3A_764 : f32
      %and3A_766 = arith.constant 15 : i32
      %and3A_767 = arith.andi %squeeze3A_749, %and3A_766 : i32
      %eq3A_768 = vector.broadcast %and3A_767 : i32 to vector<16xi32>
      %eq3A_769 = arith.cmpi eq, %iota3A, %eq3A_768 : vector<16xi32>
      %sub3A_770 = arith.constant 1.000000e+00 : f32
      %sub3A_771 = vector.broadcast %sub3A_770 : f32 to vector<16xf32>
      %sub3A_772 = arith.subf %sub3A_771, %get3A_759 : vector<16xf32>
      %mul3A_773 = vector.broadcast %select_n3A_765 : f32 to vector<16xf32>
      %mul3A_774 = arith.mulf %sub3A_772, %mul3A_773 : vector<16xf32>
      %jit3A_775 = arith.constant 0.000000e+00 : f32
      %broadcast_in_dim3A_776 = vector.broadcast %jit3A_775 : f32 to vector<16xf32>
      %select_n3A_777 = arith.select %eq3A_769, %mul3A_774, %broadcast_in_dim3A_776 : vector<16xi1>, vector<16xf32>
      %add3A_778 = arith.addf %add3A_747, %select_n3A_777 : vector<16xf32>
      %slice3A_779 = vector.extract_strided_slice %get3A_589 {offsets = [6], sizes = [1], strides = [1]} : vector<16xi32> to vector<1xi32>
      %squeeze3A_780 = vector.extract %slice3A_779[0] : i32 from vector<1xi32>
      %and3A_781 = arith.constant -16 : i32
      %and3A_782 = arith.andi %squeeze3A_780, %and3A_781 : i32
      %min3A_783 = arith.constant 880 : i32
      %min3A_784 = arith.minsi %and3A_782, %min3A_783 : i32
      %multiple_of3A_785 = tpu.assume_multiple %min3A_784, 16 : i32
      %get3A_786 = arith.constant 6 : i32
      %get3A_787 = arith.index_cast %get3A_786 : i32 to index
      %get3A_788 = arith.index_cast %multiple_of3A_785 : i32 to index
      %get3A_789 = tpu.vector_load %arg9[%get3A_787, %get3A_788] {strides = array<i32>} : memref<16x896xf32, #tpu.memory_space<vmem>>, vector<1x16xf32>,
      %get3A_790 = vector.shape_cast %get3A_789 : vector<1x16xf32> to vector<16xf32>
      %lt3A_791 = arith.constant 896 : i32
      %lt3A_792 = arith.cmpi slt, %squeeze3A_780, %lt3A_791 : i32
      %slice3A_793 = vector.extract_strided_slice %get3A_592 {offsets = [6], sizes = [1], strides = [1]} : vector<16xf32> to vector<1xf32>
      %squeeze3A_794 = vector.extract %slice3A_793[0] : f32 from vector<1xf32>
      %jit3A_795 = arith.constant 0.000000e+00 : f32
      %select_n3A_796 = arith.select %lt3A_792, %squeeze3A_794, %jit3A_795 : f32
      %and3A_797 = arith.constant 15 : i32
      %and3A_798 = arith.andi %squeeze3A_780, %and3A_797 : i32
      %eq3A_799 = vector.broadcast %and3A_798 : i32 to vector<16xi32>
      %eq3A_800 = arith.cmpi eq, %iota3A, %eq3A_799 : vector<16xi32>
      %sub3A_801 = arith.constant 1.000000e+00 : f32
      %sub3A_802 = vector.broadcast %sub3A_801 : f32 to vector<16xf32>
      %sub3A_803 = arith.subf %sub3A_802, %get3A_790 : vector<16xf32>
      %mul3A_804 = vector.broadcast %select_n3A_796 : f32 to vector<16xf32>
      %mul3A_805 = arith.mulf %sub3A_803, %mul3A_804 : vector<16xf32>
      %jit3A_806 = arith.constant 0.000000e+00 : f32
      %broadcast_in_dim3A_807 = vector.broadcast %jit3A_806 : f32 to vector<16xf32>
      %select_n3A_808 = arith.select %eq3A_800, %mul3A_805, %broadcast_in_dim3A_807 : vector<16xi1>, vector<16xf32>
      %add3A_809 = arith.addf %add3A_778, %select_n3A_808 : vector<16xf32>
      %slice3A_810 = vector.extract_strided_slice %get3A_589 {offsets = [7], sizes = [1], strides = [1]} : vector<16xi32> to vector<1xi32>
      %squeeze3A_811 = vector.extract %slice3A_810[0] : i32 from vector<1xi32>
      %and3A_812 = arith.constant -16 : i32
      %and3A_813 = arith.andi %squeeze3A_811, %and3A_812 : i32
      %min3A_814 = arith.constant 880 : i32
      %min3A_815 = arith.minsi %and3A_813, %min3A_814 : i32
      %multiple_of3A_816 = tpu.assume_multiple %min3A_815, 16 : i32
      %get3A_817 = arith.constant 7 : i32
      %get3A_818 = arith.index_cast %get3A_817 : i32 to index
      %get3A_819 = arith.index_cast %multiple_of3A_816 : i32 to index
      %get3A_820 = tpu.vector_load %arg9[%get3A_818, %get3A_819] {strides = array<i32>} : memref<16x896xf32, #tpu.memory_space<vmem>>, vector<1x16xf32>,
      %get3A_821 = vector.shape_cast %get3A_820 : vector<1x16xf32> to vector<16xf32>
      %lt3A_822 = arith.constant 896 : i32
      %lt3A_823 = arith.cmpi slt, %squeeze3A_811, %lt3A_822 : i32
      %slice3A_824 = vector.extract_strided_slice %get3A_592 {offsets = [7], sizes = [1], strides = [1]} : vector<16xf32> to vector<1xf32>
      %squeeze3A_825 = vector.extract %slice3A_824[0] : f32 from vector<1xf32>
      %jit3A_826 = arith.constant 0.000000e+00 : f32
      %select_n3A_827 = arith.select %lt3A_823, %squeeze3A_825, %jit3A_826 : f32
      %and3A_828 = arith.constant 15 : i32
      %and3A_829 = arith.andi %squeeze3A_811, %and3A_828 : i32
      %eq3A_830 = vector.broadcast %and3A_829 : i32 to vector<16xi32>
      %eq3A_831 = arith.cmpi eq, %iota3A, %eq3A_830 : vector<16xi32>
      %sub3A_832 = arith.constant 1.000000e+00 : f32
      %sub3A_833 = vector.broadcast %sub3A_832 : f32 to vector<16xf32>
      %sub3A_834 = arith.subf %sub3A_833, %get3A_821 : vector<16xf32>
      %mul3A_835 = vector.broadcast %select_n3A_827 : f32 to vector<16xf32>
      %mul3A_836 = arith.mulf %sub3A_834, %mul3A_835 : vector<16xf32>
      %jit3A_837 = arith.constant 0.000000e+00 : f32
      %broadcast_in_dim3A_838 = vector.broadcast %jit3A_837 : f32 to vector<16xf32>
      %select_n3A_839 = arith.select %eq3A_831, %mul3A_836, %broadcast_in_dim3A_838 : vector<16xi1>, vector<16xf32>
      %add3A_840 = arith.addf %add3A_809, %select_n3A_839 : vector<16xf32>
      %slice3A_841 = vector.extract_strided_slice %get3A_589 {offsets = [8], sizes = [1], strides = [1]} : vector<16xi32> to vector<1xi32>
      %squeeze3A_842 = vector.extract %slice3A_841[0] : i32 from vector<1xi32>
      %and3A_843 = arith.constant -16 : i32
      %and3A_844 = arith.andi %squeeze3A_842, %and3A_843 : i32
      %min3A_845 = arith.constant 880 : i32
      %min3A_846 = arith.minsi %and3A_844, %min3A_845 : i32
      %multiple_of3A_847 = tpu.assume_multiple %min3A_846, 16 : i32
      %get3A_848 = arith.constant 8 : i32
      %get3A_849 = arith.index_cast %get3A_848 : i32 to index
      %get3A_850 = arith.index_cast %multiple_of3A_847 : i32 to index
      %get3A_851 = tpu.vector_load %arg9[%get3A_849, %get3A_850] {strides = array<i32>} : memref<16x896xf32, #tpu.memory_space<vmem>>, vector<1x16xf32>,
      %get3A_852 = vector.shape_cast %get3A_851 : vector<1x16xf32> to vector<16xf32>
      %lt3A_853 = arith.constant 896 : i32
      %lt3A_854 = arith.cmpi slt, %squeeze3A_842, %lt3A_853 : i32
      %slice3A_855 = vector.extract_strided_slice %get3A_592 {offsets = [8], sizes = [1], strides = [1]} : vector<16xf32> to vector<1xf32>
      %squeeze3A_856 = vector.extract %slice3A_855[0] : f32 from vector<1xf32>
      %jit3A_857 = arith.constant 0.000000e+00 : f32
      %select_n3A_858 = arith.select %lt3A_854, %squeeze3A_856, %jit3A_857 : f32
      %and3A_859 = arith.constant 15 : i32
      %and3A_860 = arith.andi %squeeze3A_842, %and3A_859 : i32
      %eq3A_861 = vector.broadcast %and3A_860 : i32 to vector<16xi32>
      %eq3A_862 = arith.cmpi eq, %iota3A, %eq3A_861 : vector<16xi32>
      %sub3A_863 = arith.constant 1.000000e+00 : f32
      %sub3A_864 = vector.broadcast %sub3A_863 : f32 to vector<16xf32>
      %sub3A_865 = arith.subf %sub3A_864, %get3A_852 : vector<16xf32>
      %mul3A_866 = vector.broadcast %select_n3A_858 : f32 to vector<16xf32>
      %mul3A_867 = arith.mulf %sub3A_865, %mul3A_866 : vector<16xf32>
      %jit3A_868 = arith.constant 0.000000e+00 : f32
      %broadcast_in_dim3A_869 = vector.broadcast %jit3A_868 : f32 to vector<16xf32>
      %select_n3A_870 = arith.select %eq3A_862, %mul3A_867, %broadcast_in_dim3A_869 : vector<16xi1>, vector<16xf32>
      %add3A_871 = arith.addf %add3A_840, %select_n3A_870 : vector<16xf32>
      %slice3A_872 = vector.extract_strided_slice %get3A_589 {offsets = [9], sizes = [1], strides = [1]} : vector<16xi32> to vector<1xi32>
      %squeeze3A_873 = vector.extract %slice3A_872[0] : i32 from vector<1xi32>
      %and3A_874 = arith.constant -16 : i32
      %and3A_875 = arith.andi %squeeze3A_873, %and3A_874 : i32
      %min3A_876 = arith.constant 880 : i32
      %min3A_877 = arith.minsi %and3A_875, %min3A_876 : i32
      %multiple_of3A_878 = tpu.assume_multiple %min3A_877, 16 : i32
      %get3A_879 = arith.constant 9 : i32
      %get3A_880 = arith.index_cast %get3A_879 : i32 to index
      %get3A_881 = arith.index_cast %multiple_of3A_878 : i32 to index
      %get3A_882 = tpu.vector_load %arg9[%get3A_880, %get3A_881] {strides = array<i32>} : memref<16x896xf32, #tpu.memory_space<vmem>>, vector<1x16xf32>,
      %get3A_883 = vector.shape_cast %get3A_882 : vector<1x16xf32> to vector<16xf32>
      %lt3A_884 = arith.constant 896 : i32
      %lt3A_885 = arith.cmpi slt, %squeeze3A_873, %lt3A_884 : i32
      %slice3A_886 = vector.extract_strided_slice %get3A_592 {offsets = [9], sizes = [1], strides = [1]} : vector<16xf32> to vector<1xf32>
      %squeeze3A_887 = vector.extract %slice3A_886[0] : f32 from vector<1xf32>
      %jit3A_888 = arith.constant 0.000000e+00 : f32
      %select_n3A_889 = arith.select %lt3A_885, %squeeze3A_887, %jit3A_888 : f32
      %and3A_890 = arith.constant 15 : i32
      %and3A_891 = arith.andi %squeeze3A_873, %and3A_890 : i32
      %eq3A_892 = vector.broadcast %and3A_891 : i32 to vector<16xi32>
      %eq3A_893 = arith.cmpi eq, %iota3A, %eq3A_892 : vector<16xi32>
      %sub3A_894 = arith.constant 1.000000e+00 : f32
      %sub3A_895 = vector.broadcast %sub3A_894 : f32 to vector<16xf32>
      %sub3A_896 = arith.subf %sub3A_895, %get3A_883 : vector<16xf32>
      %mul3A_897 = vector.broadcast %select_n3A_889 : f32 to vector<16xf32>
      %mul3A_898 = arith.mulf %sub3A_896, %mul3A_897 : vector<16xf32>
      %jit3A_899 = arith.constant 0.000000e+00 : f32
      %broadcast_in_dim3A_900 = vector.broadcast %jit3A_899 : f32 to vector<16xf32>
      %select_n3A_901 = arith.select %eq3A_893, %mul3A_898, %broadcast_in_dim3A_900 : vector<16xi1>, vector<16xf32>
      %add3A_902 = arith.addf %add3A_871, %select_n3A_901 : vector<16xf32>
      %slice3A_903 = vector.extract_strided_slice %get3A_589 {offsets = [10], sizes = [1], strides = [1]} : vector<16xi32> to vector<1xi32>
      %squeeze3A_904 = vector.extract %slice3A_903[0] : i32 from vector<1xi32>
      %and3A_905 = arith.constant -16 : i32
      %and3A_906 = arith.andi %squeeze3A_904, %and3A_905 : i32
      %min3A_907 = arith.constant 880 : i32
      %min3A_908 = arith.minsi %and3A_906, %min3A_907 : i32
      %multiple_of3A_909 = tpu.assume_multiple %min3A_908, 16 : i32
      %get3A_910 = arith.constant 10 : i32
      %get3A_911 = arith.index_cast %get3A_910 : i32 to index
      %get3A_912 = arith.index_cast %multiple_of3A_909 : i32 to index
      %get3A_913 = tpu.vector_load %arg9[%get3A_911, %get3A_912] {strides = array<i32>} : memref<16x896xf32, #tpu.memory_space<vmem>>, vector<1x16xf32>,
      %get3A_914 = vector.shape_cast %get3A_913 : vector<1x16xf32> to vector<16xf32>
      %lt3A_915 = arith.constant 896 : i32
      %lt3A_916 = arith.cmpi slt, %squeeze3A_904, %lt3A_915 : i32
      %slice3A_917 = vector.extract_strided_slice %get3A_592 {offsets = [10], sizes = [1], strides = [1]} : vector<16xf32> to vector<1xf32>
      %squeeze3A_918 = vector.extract %slice3A_917[0] : f32 from vector<1xf32>
      %jit3A_919 = arith.constant 0.000000e+00 : f32
      %select_n3A_920 = arith.select %lt3A_916, %squeeze3A_918, %jit3A_919 : f32
      %and3A_921 = arith.constant 15 : i32
      %and3A_922 = arith.andi %squeeze3A_904, %and3A_921 : i32
      %eq3A_923 = vector.broadcast %and3A_922 : i32 to vector<16xi32>
      %eq3A_924 = arith.cmpi eq, %iota3A, %eq3A_923 : vector<16xi32>
      %sub3A_925 = arith.constant 1.000000e+00 : f32
      %sub3A_926 = vector.broadcast %sub3A_925 : f32 to vector<16xf32>
      %sub3A_927 = arith.subf %sub3A_926, %get3A_914 : vector<16xf32>
      %mul3A_928 = vector.broadcast %select_n3A_920 : f32 to vector<16xf32>
      %mul3A_929 = arith.mulf %sub3A_927, %mul3A_928 : vector<16xf32>
      %jit3A_930 = arith.constant 0.000000e+00 : f32
      %broadcast_in_dim3A_931 = vector.broadcast %jit3A_930 : f32 to vector<16xf32>
      %select_n3A_932 = arith.select %eq3A_924, %mul3A_929, %broadcast_in_dim3A_931 : vector<16xi1>, vector<16xf32>
      %add3A_933 = arith.addf %add3A_902, %select_n3A_932 : vector<16xf32>
      %slice3A_934 = vector.extract_strided_slice %get3A_589 {offsets = [11], sizes = [1], strides = [1]} : vector<16xi32> to vector<1xi32>
      %squeeze3A_935 = vector.extract %slice3A_934[0] : i32 from vector<1xi32>
      %and3A_936 = arith.constant -16 : i32
      %and3A_937 = arith.andi %squeeze3A_935, %and3A_936 : i32
      %min3A_938 = arith.constant 880 : i32
      %min3A_939 = arith.minsi %and3A_937, %min3A_938 : i32
      %multiple_of3A_940 = tpu.assume_multiple %min3A_939, 16 : i32
      %get3A_941 = arith.constant 11 : i32
      %get3A_942 = arith.index_cast %get3A_941 : i32 to index
      %get3A_943 = arith.index_cast %multiple_of3A_940 : i32 to index
      %get3A_944 = tpu.vector_load %arg9[%get3A_942, %get3A_943] {strides = array<i32>} : memref<16x896xf32, #tpu.memory_space<vmem>>, vector<1x16xf32>,
      %get3A_945 = vector.shape_cast %get3A_944 : vector<1x16xf32> to vector<16xf32>
      %lt3A_946 = arith.constant 896 : i32
      %lt3A_947 = arith.cmpi slt, %squeeze3A_935, %lt3A_946 : i32
      %slice3A_948 = vector.extract_strided_slice %get3A_592 {offsets = [11], sizes = [1], strides = [1]} : vector<16xf32> to vector<1xf32>
      %squeeze3A_949 = vector.extract %slice3A_948[0] : f32 from vector<1xf32>
      %jit3A_950 = arith.constant 0.000000e+00 : f32
      %select_n3A_951 = arith.select %lt3A_947, %squeeze3A_949, %jit3A_950 : f32
      %and3A_952 = arith.constant 15 : i32
      %and3A_953 = arith.andi %squeeze3A_935, %and3A_952 : i32
      %eq3A_954 = vector.broadcast %and3A_953 : i32 to vector<16xi32>
      %eq3A_955 = arith.cmpi eq, %iota3A, %eq3A_954 : vector<16xi32>
      %sub3A_956 = arith.constant 1.000000e+00 : f32
      %sub3A_957 = vector.broadcast %sub3A_956 : f32 to vector<16xf32>
      %sub3A_958 = arith.subf %sub3A_957, %get3A_945 : vector<16xf32>
      %mul3A_959 = vector.broadcast %select_n3A_951 : f32 to vector<16xf32>
      %mul3A_960 = arith.mulf %sub3A_958, %mul3A_959 : vector<16xf32>
      %jit3A_961 = arith.constant 0.000000e+00 : f32
      %broadcast_in_dim3A_962 = vector.broadcast %jit3A_961 : f32 to vector<16xf32>
      %select_n3A_963 = arith.select %eq3A_955, %mul3A_960, %broadcast_in_dim3A_962 : vector<16xi1>, vector<16xf32>
      %add3A_964 = arith.addf %add3A_933, %select_n3A_963 : vector<16xf32>
      %slice3A_965 = vector.extract_strided_slice %get3A_589 {offsets = [12], sizes = [1], strides = [1]} : vector<16xi32> to vector<1xi32>
      %squeeze3A_966 = vector.extract %slice3A_965[0] : i32 from vector<1xi32>
      %and3A_967 = arith.constant -16 : i32
      %and3A_968 = arith.andi %squeeze3A_966, %and3A_967 : i32
      %min3A_969 = arith.constant 880 : i32
      %min3A_970 = arith.minsi %and3A_968, %min3A_969 : i32
      %multiple_of3A_971 = tpu.assume_multiple %min3A_970, 16 : i32
      %get3A_972 = arith.constant 12 : i32
      %get3A_973 = arith.index_cast %get3A_972 : i32 to index
      %get3A_974 = arith.index_cast %multiple_of3A_971 : i32 to index
      %get3A_975 = tpu.vector_load %arg9[%get3A_973, %get3A_974] {strides = array<i32>} : memref<16x896xf32, #tpu.memory_space<vmem>>, vector<1x16xf32>,
      %get3A_976 = vector.shape_cast %get3A_975 : vector<1x16xf32> to vector<16xf32>
      %lt3A_977 = arith.constant 896 : i32
      %lt3A_978 = arith.cmpi slt, %squeeze3A_966, %lt3A_977 : i32
      %slice3A_979 = vector.extract_strided_slice %get3A_592 {offsets = [12], sizes = [1], strides = [1]} : vector<16xf32> to vector<1xf32>
      %squeeze3A_980 = vector.extract %slice3A_979[0] : f32 from vector<1xf32>
      %jit3A_981 = arith.constant 0.000000e+00 : f32
      %select_n3A_982 = arith.select %lt3A_978, %squeeze3A_980, %jit3A_981 : f32
      %and3A_983 = arith.constant 15 : i32
      %and3A_984 = arith.andi %squeeze3A_966, %and3A_983 : i32
      %eq3A_985 = vector.broadcast %and3A_984 : i32 to vector<16xi32>
      %eq3A_986 = arith.cmpi eq, %iota3A, %eq3A_985 : vector<16xi32>
      %sub3A_987 = arith.constant 1.000000e+00 : f32
      %sub3A_988 = vector.broadcast %sub3A_987 : f32 to vector<16xf32>
      %sub3A_989 = arith.subf %sub3A_988, %get3A_976 : vector<16xf32>
      %mul3A_990 = vector.broadcast %select_n3A_982 : f32 to vector<16xf32>
      %mul3A_991 = arith.mulf %sub3A_989, %mul3A_990 : vector<16xf32>
      %jit3A_992 = arith.constant 0.000000e+00 : f32
      %broadcast_in_dim3A_993 = vector.broadcast %jit3A_992 : f32 to vector<16xf32>
      %select_n3A_994 = arith.select %eq3A_986, %mul3A_991, %broadcast_in_dim3A_993 : vector<16xi1>, vector<16xf32>
      %add3A_995 = arith.addf %add3A_964, %select_n3A_994 : vector<16xf32>
      %slice3A_996 = vector.extract_strided_slice %get3A_589 {offsets = [13], sizes = [1], strides = [1]} : vector<16xi32> to vector<1xi32>
      %squeeze3A_997 = vector.extract %slice3A_996[0] : i32 from vector<1xi32>
      %and3A_998 = arith.constant -16 : i32
      %and3A_999 = arith.andi %squeeze3A_997, %and3A_998 : i32
      %min3A_1000 = arith.constant 880 : i32
      %min3A_1001 = arith.minsi %and3A_999, %min3A_1000 : i32
      %multiple_of3A_1002 = tpu.assume_multiple %min3A_1001, 16 : i32
      %get3A_1003 = arith.constant 13 : i32
      %get3A_1004 = arith.index_cast %get3A_1003 : i32 to index
      %get3A_1005 = arith.index_cast %multiple_of3A_1002 : i32 to index
      %get3A_1006 = tpu.vector_load %arg9[%get3A_1004, %get3A_1005] {strides = array<i32>} : memref<16x896xf32, #tpu.memory_space<vmem>>, vector<1x16xf32>,
      %get3A_1007 = vector.shape_cast %get3A_1006 : vector<1x16xf32> to vector<16xf32>
      %lt3A_1008 = arith.constant 896 : i32
      %lt3A_1009 = arith.cmpi slt, %squeeze3A_997, %lt3A_1008 : i32
      %slice3A_1010 = vector.extract_strided_slice %get3A_592 {offsets = [13], sizes = [1], strides = [1]} : vector<16xf32> to vector<1xf32>
      %squeeze3A_1011 = vector.extract %slice3A_1010[0] : f32 from vector<1xf32>
      %jit3A_1012 = arith.constant 0.000000e+00 : f32
      %select_n3A_1013 = arith.select %lt3A_1009, %squeeze3A_1011, %jit3A_1012 : f32
      %and3A_1014 = arith.constant 15 : i32
      %and3A_1015 = arith.andi %squeeze3A_997, %and3A_1014 : i32
      %eq3A_1016 = vector.broadcast %and3A_1015 : i32 to vector<16xi32>
      %eq3A_1017 = arith.cmpi eq, %iota3A, %eq3A_1016 : vector<16xi32>
      %sub3A_1018 = arith.constant 1.000000e+00 : f32
      %sub3A_1019 = vector.broadcast %sub3A_1018 : f32 to vector<16xf32>
      %sub3A_1020 = arith.subf %sub3A_1019, %get3A_1007 : vector<16xf32>
      %mul3A_1021 = vector.broadcast %select_n3A_1013 : f32 to vector<16xf32>
      %mul3A_1022 = arith.mulf %sub3A_1020, %mul3A_1021 : vector<16xf32>
      %jit3A_1023 = arith.constant 0.000000e+00 : f32
      %broadcast_in_dim3A_1024 = vector.broadcast %jit3A_1023 : f32 to vector<16xf32>
      %select_n3A_1025 = arith.select %eq3A_1017, %mul3A_1022, %broadcast_in_dim3A_1024 : vector<16xi1>, vector<16xf32>
      %add3A_1026 = arith.addf %add3A_995, %select_n3A_1025 : vector<16xf32>
      %slice3A_1027 = vector.extract_strided_slice %get3A_589 {offsets = [14], sizes = [1], strides = [1]} : vector<16xi32> to vector<1xi32>
      %squeeze3A_1028 = vector.extract %slice3A_1027[0] : i32 from vector<1xi32>
      %and3A_1029 = arith.constant -16 : i32
      %and3A_1030 = arith.andi %squeeze3A_1028, %and3A_1029 : i32
      %min3A_1031 = arith.constant 880 : i32
      %min3A_1032 = arith.minsi %and3A_1030, %min3A_1031 : i32
      %multiple_of3A_1033 = tpu.assume_multiple %min3A_1032, 16 : i32
      %get3A_1034 = arith.constant 14 : i32
      %get3A_1035 = arith.index_cast %get3A_1034 : i32 to index
      %get3A_1036 = arith.index_cast %multiple_of3A_1033 : i32 to index
      %get3A_1037 = tpu.vector_load %arg9[%get3A_1035, %get3A_1036] {strides = array<i32>} : memref<16x896xf32, #tpu.memory_space<vmem>>, vector<1x16xf32>,
      %get3A_1038 = vector.shape_cast %get3A_1037 : vector<1x16xf32> to vector<16xf32>
      %lt3A_1039 = arith.constant 896 : i32
      %lt3A_1040 = arith.cmpi slt, %squeeze3A_1028, %lt3A_1039 : i32
      %slice3A_1041 = vector.extract_strided_slice %get3A_592 {offsets = [14], sizes = [1], strides = [1]} : vector<16xf32> to vector<1xf32>
      %squeeze3A_1042 = vector.extract %slice3A_1041[0] : f32 from vector<1xf32>
      %jit3A_1043 = arith.constant 0.000000e+00 : f32
      %select_n3A_1044 = arith.select %lt3A_1040, %squeeze3A_1042, %jit3A_1043 : f32
      %and3A_1045 = arith.constant 15 : i32
      %and3A_1046 = arith.andi %squeeze3A_1028, %and3A_1045 : i32
      %eq3A_1047 = vector.broadcast %and3A_1046 : i32 to vector<16xi32>
      %eq3A_1048 = arith.cmpi eq, %iota3A, %eq3A_1047 : vector<16xi32>
      %sub3A_1049 = arith.constant 1.000000e+00 : f32
      %sub3A_1050 = vector.broadcast %sub3A_1049 : f32 to vector<16xf32>
      %sub3A_1051 = arith.subf %sub3A_1050, %get3A_1038 : vector<16xf32>
      %mul3A_1052 = vector.broadcast %select_n3A_1044 : f32 to vector<16xf32>
      %mul3A_1053 = arith.mulf %sub3A_1051, %mul3A_1052 : vector<16xf32>
      %jit3A_1054 = arith.constant 0.000000e+00 : f32
      %broadcast_in_dim3A_1055 = vector.broadcast %jit3A_1054 : f32 to vector<16xf32>
      %select_n3A_1056 = arith.select %eq3A_1048, %mul3A_1053, %broadcast_in_dim3A_1055 : vector<16xi1>, vector<16xf32>
      %add3A_1057 = arith.addf %add3A_1026, %select_n3A_1056 : vector<16xf32>
      %slice3A_1058 = vector.extract_strided_slice %get3A_589 {offsets = [15], sizes = [1], strides = [1]} : vector<16xi32> to vector<1xi32>
      %squeeze3A_1059 = vector.extract %slice3A_1058[0] : i32 from vector<1xi32>
      %and3A_1060 = arith.constant -16 : i32
      %and3A_1061 = arith.andi %squeeze3A_1059, %and3A_1060 : i32
      %min3A_1062 = arith.constant 880 : i32
      %min3A_1063 = arith.minsi %and3A_1061, %min3A_1062 : i32
      %multiple_of3A_1064 = tpu.assume_multiple %min3A_1063, 16 : i32
      %get3A_1065 = arith.constant 15 : i32
      %get3A_1066 = arith.index_cast %get3A_1065 : i32 to index
      %get3A_1067 = arith.index_cast %multiple_of3A_1064 : i32 to index
      %get3A_1068 = tpu.vector_load %arg9[%get3A_1066, %get3A_1067] {strides = array<i32>} : memref<16x896xf32, #tpu.memory_space<vmem>>, vector<1x16xf32>,
      %get3A_1069 = vector.shape_cast %get3A_1068 : vector<1x16xf32> to vector<16xf32>
      %lt3A_1070 = arith.constant 896 : i32
      %lt3A_1071 = arith.cmpi slt, %squeeze3A_1059, %lt3A_1070 : i32
      %slice3A_1072 = vector.extract_strided_slice %get3A_592 {offsets = [15], sizes = [1], strides = [1]} : vector<16xf32> to vector<1xf32>
      %squeeze3A_1073 = vector.extract %slice3A_1072[0] : f32 from vector<1xf32>
      %jit3A_1074 = arith.constant 0.000000e+00 : f32
      %select_n3A_1075 = arith.select %lt3A_1071, %squeeze3A_1073, %jit3A_1074 : f32
      %and3A_1076 = arith.constant 15 : i32
      %and3A_1077 = arith.andi %squeeze3A_1059, %and3A_1076 : i32
      %eq3A_1078 = vector.broadcast %and3A_1077 : i32 to vector<16xi32>
      %eq3A_1079 = arith.cmpi eq, %iota3A, %eq3A_1078 : vector<16xi32>
      %sub3A_1080 = arith.constant 1.000000e+00 : f32
      %sub3A_1081 = vector.broadcast %sub3A_1080 : f32 to vector<16xf32>
      %sub3A_1082 = arith.subf %sub3A_1081, %get3A_1069 : vector<16xf32>
      %mul3A_1083 = vector.broadcast %select_n3A_1075 : f32 to vector<16xf32>
      %mul3A_1084 = arith.mulf %sub3A_1082, %mul3A_1083 : vector<16xf32>
      %jit3A_1085 = arith.constant 0.000000e+00 : f32
      %broadcast_in_dim3A_1086 = vector.broadcast %jit3A_1085 : f32 to vector<16xf32>
      %select_n3A_1087 = arith.select %eq3A_1079, %mul3A_1084, %broadcast_in_dim3A_1086 : vector<16xi1>, vector<16xf32>
      %add3A_1088 = arith.addf %add3A_1057, %select_n3A_1087 : vector<16xf32>
      scf.yield %add3A_1088 : vector<16xf32>
    }
    %scan3A_20 = arith.constant 16 : i32
    %dma_wait3A = arith.constant 0 : i32
    %dma_wait3A_21 = arith.constant 0 : i32
    %dma_wait3A_22 = tpu.memref_slice %arg2[%dma_wait3A, %dma_wait3A_21] : memref<16384x1000xf32, #tpu.memory_space<hbm>> -> memref<16x896xf32, #tpu.memory_space<hbm>>
    %dma_wait3A_23 = arith.constant 0 : i32
    %dma_wait3A_24 = arith.constant 0 : i32
    %dma_wait3A_25 = tpu.memref_slice %arg2[%dma_wait3A_23, %dma_wait3A_24] : memref<16384x1000xf32, #tpu.memory_space<hbm>> -> memref<16x896xf32, #tpu.memory_space<hbm>>
    tpu.wait_dma2 semaphore(%arg13 : memref<!tpu.dma_semaphore, #tpu.memory_space<semaphore_mem>>) src(%dma_wait3A_25 : memref<16x896xf32, #tpu.memory_space<hbm>>) dst(%arg8 : memref<16x896xf32, #tpu.memory_space<vmem>>)
    %dma_wait3A_26 = arith.constant 0 : i32
    %dma_wait3A_27 = arith.constant 0 : i32
    %dma_wait3A_28 = tpu.memref_slice %arg2[%dma_wait3A_26, %dma_wait3A_27] : memref<16384x1000xf32, #tpu.memory_space<hbm>> -> memref<16x896xf32, #tpu.memory_space<hbm>>
    %dma_wait3A_29 = arith.constant 0 : i32
    %dma_wait3A_30 = arith.constant 0 : i32
    %dma_wait3A_31 = tpu.memref_slice %arg2[%dma_wait3A_29, %dma_wait3A_30] : memref<16384x1000xf32, #tpu.memory_space<hbm>> -> memref<16x896xf32, #tpu.memory_space<hbm>>
    tpu.wait_dma2 semaphore(%arg14 : memref<!tpu.dma_semaphore, #tpu.memory_space<semaphore_mem>>) src(%dma_wait3A_31 : memref<16x896xf32, #tpu.memory_space<hbm>>) dst(%arg9 : memref<16x896xf32, #tpu.memory_space<vmem>>)
    %mul3A_32 = arith.constant 6.10351563E-5 : f32
    %mul3A_33 = vector.broadcast %mul3A_32 : f32 to vector<16xf32>
    %mul3A_34 = arith.mulf %scan3A_19, %mul3A_33 : vector<16xf32>
    %swap3A = arith.constant 0 : index
    %swap3A_35 = tpu.vector_load %arg10[%swap3A] {strides = array<i32>} : memref<16xf32, #tpu.memory_space<vmem>>, vector<16xf32>,
    %swap3A_36 = vector.shape_cast %swap3A_35 : vector<16xf32> to vector<16xf32>
    %swap3A_37 = vector.shape_cast %mul3A_34 : vector<16xf32> to vector<16xf32>
    tpu.vector_store %arg10[%swap3A], %swap3A_37 {strides = array<i32>} : memref<16xf32, #tpu.memory_space<vmem>>, vector<16xf32>,
    %mul3A_38 = arith.constant 16 : i32
    %mul3A_39 = arith.muli %arg1, %mul3A_38 : i32
    "tpu.region"() ({
      %run_scoped3A = tpu.sem_alloc : memref<!tpu.dma_semaphore, #tpu.memory_space<semaphore_mem>>
      %dma_start3A_42 = tpu.memref_slice %arg12[%mul3A_39] : memref<256xf32, #tpu.memory_space<vmem_shared>> -> memref<16xf32, #tpu.memory_space<vmem_shared>>
      %dma_start3A_43 = tpu.memref_slice %arg12[%mul3A_39] : memref<256xf32, #tpu.memory_space<vmem_shared>> -> memref<16xf32, #tpu.memory_space<vmem_shared>>
      tpu.enqueue_dma source(%arg10 : memref<16xf32, #tpu.memory_space<vmem>>) target(%dma_start3A_43 : memref<16xf32, #tpu.memory_space<vmem_shared>>) target_semaphore(%run_scoped3A : memref<!tpu.dma_semaphore, #tpu.memory_space<semaphore_mem>>)
      %dma_wait3A_44 = tpu.memref_slice %arg12[%mul3A_39] : memref<256xf32, #tpu.memory_space<vmem_shared>> -> memref<16xf32, #tpu.memory_space<vmem_shared>>
      %dma_wait3A_45 = tpu.memref_slice %arg12[%mul3A_39] : memref<256xf32, #tpu.memory_space<vmem_shared>> -> memref<16xf32, #tpu.memory_space<vmem_shared>>
      tpu.wait_dma2 semaphore(%run_scoped3A : memref<!tpu.dma_semaphore, #tpu.memory_space<semaphore_mem>>) src(%arg10 : memref<16xf32, #tpu.memory_space<vmem>>) dst(%dma_wait3A_45 : memref<16xf32, #tpu.memory_space<vmem_shared>>)
      tpu.yield
    }) : () -> ()
    %barrier3A = arith.constant 0 : index
    tpu.barrier barrier_id(%barrier3A)
    %eq3A = arith.constant 0 : i32
    %eq3A_40 = arith.cmpi eq, %arg1, %eq3A : i32
    %convert_element_type3A = arith.extui %eq3A_40 : i1 to i32
    %cond3A = arith.constant 0 : i32
    %cond3A_41 = arith.cmpi ne, %convert_element_type3A, %cond3A : i32
    scf.if %cond3A_41 {
      "tpu.region"() ({
        %run_scoped3A = tpu.sem_alloc : memref<!tpu.dma_semaphore, #tpu.memory_space<semaphore_mem>>
        tpu.enqueue_dma source(%arg12 : memref<256xf32, #tpu.memory_space<vmem_shared>>) target(%arg11 : memref<256xf32, #tpu.memory_space<vmem>>) target_semaphore(%run_scoped3A : memref<!tpu.dma_semaphore, #tpu.memory_space<semaphore_mem>>)
        tpu.wait_dma2 semaphore(%run_scoped3A : memref<!tpu.dma_semaphore, #tpu.memory_space<semaphore_mem>>) src(%arg12 : memref<256xf32, #tpu.memory_space<vmem_shared>>) dst(%arg11 : memref<256xf32, #tpu.memory_space<vmem>>)
        tpu.yield
      }) : () -> ()
      %broadcast_in_dim3A_42 = arith.constant 0.000000e+00 : f32
      %broadcast_in_dim3A_43 = vector.broadcast %broadcast_in_dim3A_42 : f32 to vector<16xf32>
      %get3A = arith.constant 0 : index
      %get3A_44 = tpu.vector_load %arg11[%get3A] {strides = array<i32>} : memref<256xf32, #tpu.memory_space<vmem>>, vector<16xf32>,
      %get3A_45 = vector.shape_cast %get3A_44 : vector<16xf32> to vector<16xf32>
      %add3A_46 = arith.addf %broadcast_in_dim3A_43, %get3A_45 : vector<16xf32>
      %get3A_47 = arith.constant 16 : index
      %get3A_48 = tpu.vector_load %arg11[%get3A_47] {strides = array<i32>} : memref<256xf32, #tpu.memory_space<vmem>>, vector<16xf32>,
      %get3A_49 = vector.shape_cast %get3A_48 : vector<16xf32> to vector<16xf32>
      %add3A_50 = arith.addf %add3A_46, %get3A_49 : vector<16xf32>
      %get3A_51 = arith.constant 32 : index
      %get3A_52 = tpu.vector_load %arg11[%get3A_51] {strides = array<i32>} : memref<256xf32, #tpu.memory_space<vmem>>, vector<16xf32>,
      %get3A_53 = vector.shape_cast %get3A_52 : vector<16xf32> to vector<16xf32>
      %add3A_54 = arith.addf %add3A_50, %get3A_53 : vector<16xf32>
      %get3A_55 = arith.constant 48 : index
      %get3A_56 = tpu.vector_load %arg11[%get3A_55] {strides = array<i32>} : memref<256xf32, #tpu.memory_space<vmem>>, vector<16xf32>,
      %get3A_57 = vector.shape_cast %get3A_56 : vector<16xf32> to vector<16xf32>
      %add3A_58 = arith.addf %add3A_54, %get3A_57 : vector<16xf32>
      %get3A_59 = arith.constant 64 : index
      %get3A_60 = tpu.vector_load %arg11[%get3A_59] {strides = array<i32>} : memref<256xf32, #tpu.memory_space<vmem>>, vector<16xf32>,
      %get3A_61 = vector.shape_cast %get3A_60 : vector<16xf32> to vector<16xf32>
      %add3A_62 = arith.addf %add3A_58, %get3A_61 : vector<16xf32>
      %get3A_63 = arith.constant 80 : index
      %get3A_64 = tpu.vector_load %arg11[%get3A_63] {strides = array<i32>} : memref<256xf32, #tpu.memory_space<vmem>>, vector<16xf32>,
      %get3A_65 = vector.shape_cast %get3A_64 : vector<16xf32> to vector<16xf32>
      %add3A_66 = arith.addf %add3A_62, %get3A_65 : vector<16xf32>
      %get3A_67 = arith.constant 96 : index
      %get3A_68 = tpu.vector_load %arg11[%get3A_67] {strides = array<i32>} : memref<256xf32, #tpu.memory_space<vmem>>, vector<16xf32>,
      %get3A_69 = vector.shape_cast %get3A_68 : vector<16xf32> to vector<16xf32>
      %add3A_70 = arith.addf %add3A_66, %get3A_69 : vector<16xf32>
      %get3A_71 = arith.constant 112 : index
      %get3A_72 = tpu.vector_load %arg11[%get3A_71] {strides = array<i32>} : memref<256xf32, #tpu.memory_space<vmem>>, vector<16xf32>,
      %get3A_73 = vector.shape_cast %get3A_72 : vector<16xf32> to vector<16xf32>
      %add3A_74 = arith.addf %add3A_70, %get3A_73 : vector<16xf32>
      %get3A_75 = arith.constant 128 : index
      %get3A_76 = tpu.vector_load %arg11[%get3A_75] {strides = array<i32>} : memref<256xf32, #tpu.memory_space<vmem>>, vector<16xf32>,
      %get3A_77 = vector.shape_cast %get3A_76 : vector<16xf32> to vector<16xf32>
      %add3A_78 = arith.addf %add3A_74, %get3A_77 : vector<16xf32>
      %get3A_79 = arith.constant 144 : index
      %get3A_80 = tpu.vector_load %arg11[%get3A_79] {strides = array<i32>} : memref<256xf32, #tpu.memory_space<vmem>>, vector<16xf32>,
      %get3A_81 = vector.shape_cast %get3A_80 : vector<16xf32> to vector<16xf32>
      %add3A_82 = arith.addf %add3A_78, %get3A_81 : vector<16xf32>
      %get3A_83 = arith.constant 160 : index
      %get3A_84 = tpu.vector_load %arg11[%get3A_83] {strides = array<i32>} : memref<256xf32, #tpu.memory_space<vmem>>, vector<16xf32>,
      %get3A_85 = vector.shape_cast %get3A_84 : vector<16xf32> to vector<16xf32>
      %add3A_86 = arith.addf %add3A_82, %get3A_85 : vector<16xf32>
      %get3A_87 = arith.constant 176 : index
      %get3A_88 = tpu.vector_load %arg11[%get3A_87] {strides = array<i32>} : memref<256xf32, #tpu.memory_space<vmem>>, vector<16xf32>,
      %get3A_89 = vector.shape_cast %get3A_88 : vector<16xf32> to vector<16xf32>
      %add3A_90 = arith.addf %add3A_86, %get3A_89 : vector<16xf32>
      %get3A_91 = arith.constant 192 : index
      %get3A_92 = tpu.vector_load %arg11[%get3A_91] {strides = array<i32>} : memref<256xf32, #tpu.memory_space<vmem>>, vector<16xf32>,
      %get3A_93 = vector.shape_cast %get3A_92 : vector<16xf32> to vector<16xf32>
      %add3A_94 = arith.addf %add3A_90, %get3A_93 : vector<16xf32>
      %get3A_95 = arith.constant 208 : index
      %get3A_96 = tpu.vector_load %arg11[%get3A_95] {strides = array<i32>} : memref<256xf32, #tpu.memory_space<vmem>>, vector<16xf32>,
      %get3A_97 = vector.shape_cast %get3A_96 : vector<16xf32> to vector<16xf32>
      %add3A_98 = arith.addf %add3A_94, %get3A_97 : vector<16xf32>
      %get3A_99 = arith.constant 224 : index
      %get3A_100 = tpu.vector_load %arg11[%get3A_99] {strides = array<i32>} : memref<256xf32, #tpu.memory_space<vmem>>, vector<16xf32>,
      %get3A_101 = vector.shape_cast %get3A_100 : vector<16xf32> to vector<16xf32>
      %add3A_102 = arith.addf %add3A_98, %get3A_101 : vector<16xf32>
      %get3A_103 = arith.constant 240 : index
      %get3A_104 = tpu.vector_load %arg11[%get3A_103] {strides = array<i32>} : memref<256xf32, #tpu.memory_space<vmem>>, vector<16xf32>,
      %get3A_105 = vector.shape_cast %get3A_104 : vector<16xf32> to vector<16xf32>
      %add3A_106 = arith.addf %add3A_102, %get3A_105 : vector<16xf32>
      %swap3A_107 = arith.constant 0 : index
      %swap3A_108 = tpu.vector_load %arg10[%swap3A_107] {strides = array<i32>} : memref<16xf32, #tpu.memory_space<vmem>>, vector<16xf32>,
      %swap3A_109 = vector.shape_cast %swap3A_108 : vector<16xf32> to vector<16xf32>
      %swap3A_110 = vector.shape_cast %add3A_106 : vector<16xf32> to vector<16xf32>
      tpu.vector_store %arg10[%swap3A_107], %swap3A_110 {strides = array<i32>} : memref<16xf32, #tpu.memory_space<vmem>>, vector<16xf32>,
      %mul3A_111 = arith.constant 16 : i32
      %mul3A_112 = arith.muli %arg0, %mul3A_111 : i32
      "tpu.region"() ({
        %run_scoped3A = tpu.sem_alloc : memref<!tpu.dma_semaphore, #tpu.memory_space<semaphore_mem>>
        %dma_start3A_113 = tpu.memref_slice %arg5[%mul3A_112] : memref<32xf32, #tpu.memory_space<hbm>> -> memref<16xf32, #tpu.memory_space<hbm>>
        %dma_start3A_114 = tpu.memref_slice %arg5[%mul3A_112] : memref<32xf32, #tpu.memory_space<hbm>> -> memref<16xf32, #tpu.memory_space<hbm>>
        tpu.enqueue_dma source(%arg10 : memref<16xf32, #tpu.memory_space<vmem>>) target(%dma_start3A_114 : memref<16xf32, #tpu.memory_space<hbm>>) target_semaphore(%run_scoped3A : memref<!tpu.dma_semaphore, #tpu.memory_space<semaphore_mem>>)
        %dma_wait3A_115 = tpu.memref_slice %arg5[%mul3A_112] : memref<32xf32, #tpu.memory_space<hbm>> -> memref<16xf32, #tpu.memory_space<hbm>>
        %dma_wait3A_116 = tpu.memref_slice %arg5[%mul3A_112] : memref<32xf32, #tpu.memory_space<hbm>> -> memref<16xf32, #tpu.memory_space<hbm>>
        tpu.wait_dma2 semaphore(%run_scoped3A : memref<!tpu.dma_semaphore, #tpu.memory_space<semaphore_mem>>) src(%arg10 : memref<16xf32, #tpu.memory_space<vmem>>) dst(%dma_wait3A_116 : memref<16xf32, #tpu.memory_space<hbm>>)
        tpu.yield
      }) : () -> ()
    } else {
    }
    return
  }
}

module attributes {stable_mosaic.version = 14 : i64} {
  func.func @_tc_tail_body(%arg0: i32, %arg1: memref<1024x1xi32, #tpu.memory_space<vmem>>, %arg2: memref<1024x1xf32, #tpu.memory_space<vmem>>, %arg3: memref<1024x128xf32, #tpu.memory_space<vmem>>, %arg4: memref<1x1xf32, #tpu.memory_space<smem>>) attributes {dimension_semantics = [#tpu.dimension_semantics<arbitrary>], iteration_bounds = array<i64: 16>, scalar_prefetch = 0 : i64, scratch_operands = 0 : i64, tpu.core_type = #tpu.core_type<tc>, window_params = [{transform_indices = @transform_0, window_bounds = array<i64: 1024, 1>}, {transform_indices = @transform_1, window_bounds = array<i64: 1024, 1>}, {transform_indices = @transform_2, window_bounds = array<i64: 1024, 128>}, {transform_indices = @transform_3, window_bounds = array<i64: 1, 1>}]} {
    %get3A = arith.constant 0 : index
    %get3A_0 = arith.constant 0 : index
    %get3A_1 = vector.load %arg3[%get3A, %get3A_0] : memref<1024x128xf32, #tpu.memory_space<vmem>>, vector<1024x128xf32>
    %get3A_2 = arith.constant 0 : index
    %get3A_3 = arith.constant 0 : index
    %get3A_4 = vector.load %arg1[%get3A_2, %get3A_3] : memref<1024x1xi32, #tpu.memory_space<vmem>>, vector<1024x1xi32>
    %get3A_5 = arith.constant 0 : index
    %get3A_6 = arith.constant 0 : index
    %get3A_7 = vector.load %arg2[%get3A_5, %get3A_6] : memref<1024x1xf32, #tpu.memory_space<vmem>>, vector<1024x1xf32>
    %ge3A = arith.constant 896 : i32
    %ge3A_8 = vector.broadcast %ge3A : i32 to vector<1024x1xi32>
    %ge3A_9 = arith.cmpi sge, %get3A_4, %ge3A_8 : vector<1024x1xi32>
    %jit3A = arith.constant 1.000000e+00 : f32
    %jit3A_10 = arith.constant 0.000000e+00 : f32
    %broadcast_in_dim3A = vector.broadcast %jit3A : f32 to vector<1024x1xf32>
    %broadcast_in_dim3A_11 = vector.broadcast %jit3A_10 : f32 to vector<1024x1xf32>
    %select_n3A = arith.select %ge3A_9, %broadcast_in_dim3A, %broadcast_in_dim3A_11 : vector<1024x1xi1>, vector<1024x1xf32>
    %mul3A = arith.mulf %get3A_7, %select_n3A : vector<1024x1xf32>
    %iota3A = tpu.iota {dimensions = array<i32: 1>} : vector<1024x128xi32>
    %add3A = arith.constant 896 : i32
    %add3A_12 = vector.broadcast %add3A : i32 to vector<1024x128xi32>
    %add3A_13 = arith.addi %iota3A, %add3A_12 : vector<1024x128xi32>
    %eq3A = vector.broadcast %get3A_4 : vector<1024x1xi32> to vector<1024x128xi32>
    %eq3A_14 = arith.cmpi eq, %add3A_13, %eq3A : vector<1024x128xi32>
    %mul3A_15 = vector.broadcast %mul3A : vector<1024x1xf32> to vector<1024x128xf32>
    %mul3A_16 = arith.mulf %get3A_1, %mul3A_15 : vector<1024x128xf32>
    %jit3A_17 = arith.constant 0.000000e+00 : f32
    %broadcast_in_dim3A_18 = vector.broadcast %jit3A_17 : f32 to vector<1024x128xf32>
    %select_n3A_19 = arith.select %eq3A_14, %mul3A_16, %broadcast_in_dim3A_18 : vector<1024x128xi1>, vector<1024x128xf32>
    %reduce_sum3A = vector.shape_cast %mul3A : vector<1024x1xf32> to vector<1x1024x1xf32>
    %reduce_sum3A_20 = arith.constant dense<0.000000e+00> : vector<1xf32>
    %reduce_sum3A_21 = vector.multi_reduction <add>, %reduce_sum3A, %reduce_sum3A_20 [1, 2] : vector<1x1024x1xf32> to vector<1xf32>
    %reduce_sum3A_22 = vector.shape_cast %reduce_sum3A_21 : vector<1xf32> to vector<1x1x1xf32>
    %reduce_sum3A_23 = vector.extract %reduce_sum3A_22[0, 0, 0] : f32 from vector<1x1x1xf32>
    %reduce_sum3A_24 = vector.shape_cast %select_n3A_19 : vector<1024x128xf32> to vector<1x1024x128xf32>
    %reduce_sum3A_25 = arith.constant dense<0.000000e+00> : vector<1xf32>
    %reduce_sum3A_26 = vector.multi_reduction <add>, %reduce_sum3A_24, %reduce_sum3A_25 [1, 2] : vector<1x1024x128xf32> to vector<1xf32>
    %reduce_sum3A_27 = vector.shape_cast %reduce_sum3A_26 : vector<1xf32> to vector<1x1x1xf32>
    %reduce_sum3A_28 = vector.extract %reduce_sum3A_27[0, 0, 0] : f32 from vector<1x1x1xf32>
    %sub3A = arith.subf %reduce_sum3A_23, %reduce_sum3A_28 : f32
    %mul3A_29 = arith.constant 6.10351563E-5 : f32
    %mul3A_30 = arith.mulf %sub3A, %mul3A_29 : f32
    %eq3A_31 = arith.constant 0 : i32
    %eq3A_32 = arith.cmpi eq, %arg0, %eq3A_31 : i32
    %convert_element_type3A = arith.extui %eq3A_32 : i1 to i32
    %cond3A = arith.constant 0 : i32
    %cond3A_33 = arith.cmpi ne, %convert_element_type3A, %cond3A : i32
    scf.if %cond3A_33 {
      %swap3A_40 = arith.constant 0.000000e+00 : f32
      %swap3A_41 = arith.constant 0 : index
      %swap3A_42 = arith.constant 0 : index
      %swap3A_43 = memref.load %arg4[%swap3A_41, %swap3A_42] : memref<1x1xf32, #tpu.memory_space<smem>>
      memref.store %swap3A_40, %arg4[%swap3A_41, %swap3A_42] : memref<1x1xf32, #tpu.memory_space<smem>>
    } else {
    }
    %get3A_34 = arith.constant 0 : index
    %get3A_35 = arith.constant 0 : index
    %get3A_36 = memref.load %arg4[%get3A_34, %get3A_35] : memref<1x1xf32, #tpu.memory_space<smem>>
    %add3A_37 = arith.addf %get3A_36, %mul3A_30 : f32
    %swap3A = arith.constant 0 : index
    %swap3A_38 = arith.constant 0 : index
    %swap3A_39 = memref.load %arg4[%swap3A, %swap3A_38] : memref<1x1xf32, #tpu.memory_space<smem>>
    memref.store %add3A_37, %arg4[%swap3A, %swap3A_38] : memref<1x1xf32, #tpu.memory_space<smem>>
    return
  }
  func.func @transform_0(%arg0: i32) -> (i32, i32) {
    %c0_i32 = arith.constant 0 : i32
    %c0_i32_0 = arith.constant 0 : i32
    return %arg0, %c0_i32 : i32, i32
  }
  func.func @transform_1(%arg0: i32) -> (i32, i32) {
    %c0_i32 = arith.constant 0 : i32
    %c0_i32_0 = arith.constant 0 : i32
    return %arg0, %c0_i32 : i32, i32
  }
  func.func @transform_2(%arg0: i32) -> (i32, i32) {
    %c7_i32 = arith.constant 7 : i32
    %c0_i32 = arith.constant 0 : i32
    return %arg0, %c7_i32 : i32, i32
  }
  func.func @transform_3(%arg0: i32) -> (i32, i32) {
    %c0_i32 = arith.constant 0 : i32
    %c0_i32_0 = arith.constant 0 : i32
    %c0_i32_1 = arith.constant 0 : i32
    return %c0_i32, %c0_i32_0 : i32, i32
  }
}

</mosaic_0001>

<sc_bundles>
// kernel: kernel.4.cloned.1.call-start
scs
__scs_entry_jumppad:
0x0: {  	(pc) =	sbr.rel $0x88, $3  }
0x1: {  	(tag) =	ssettag $0x0;
	lr =	simm.s32 $0x1  }
0x2: {  	[smem:$0x3F9E] =	sst lr;
	_ =	strace $0xD0000000  }
0x3: {  	_ = 	snop  }
0x4: {  	_ = 	snop  }
0x5: {  	_ = 	snop  }
0x6: {  	_ = 	snop  }
0x7: {  	_ = 	snop  }
__scs_overlays_trampoline_lowered:
0x8: {  	[smem:$0x3FAD] =	sst s0  }
0x9: {  	[smem:$0x3FAE] =	sst s1  }
0xa: {  	[smem:$0x3FAF] =	sst s2  }
0xb: {  	[smem:$0x3FB0] =	sst s3  }
0xc: {  	[smem:$0x3FB1] =	sst s4  }
0xd: {  	[smem:$0x3FB2] =	sst s5  }
0xe: {  	[smem:$0x3FB3] =	sst s6  }
0xf: {  	[smem:$0x3FB4] =	sst s7  }
0x10: {  	[smem:$0x3FB5] =	sst s8  }
0x11: {  	[smem:$0x3FB6] =	sst s9;
	s0 =	simm.s32 @!p0 $0x0  }
0x12: {  	s1 =	sld [smem:$0x3F9C];
	s0 =	simm.s32 @p0 $0x1  }
0x13: {  	[smem:$0x3FB7] =	sst s0;
	s0 =	simm.s32 @!p1 $0x0  }
0x14: {  	s2 =	sld [smem:$0x3F9B];
	s0 =	simm.s32 @p1 $0x1  }
0x15: {  	[smem:$0x3FB8] =	sst s0;
	s0 =	simm.s32 @!p2 $0x0  }
0x16: {  	s3 =	sld [smem:$0x3FDB];
	s0 =	simm.s32 @p2 $0x1  }
0x17: {  	s4 =	simm.s32 $0x1BF5;
	[smem:$0x3FBA] =	sst s0  }
0x18: {  	s0 =	sld [smem:$0x3F9D];
	_ =	swait.ge [sflag:s4], $0x0  }
0x19: {  	s7 =	sld [smem:$0x3F9E]  }
0x1a: {  	s8 =	sadd.s32 $0xFFFFE003, lr  }
0x1b: {  	s9 =	sadd.s32 $0xFFFFFEF7, lr;
	s5 =	simm.s32 $0xFFFFFFFF;
	p2 =	slt.u32 s8, $0xFFFFF086  }
0x1c: {  	p1 =	slt.u32 s9, $0xF7A;
	s5 =	simm.s32 @!p2 $0x0  }
0x1d: {  	s5 =	simm.s32 @p1 $0x1;
	p0 =	seq.s32 s7, s2  }
0x1e: {  	s7 =	smul.u32 @!p0 $0xF7A, s2;
	p2 =	seq.s32 @!p0 s5, $0x0  }
0x1f: {  	s9 =	smul.u32 $0xF7A, s1;
	s8 =	simm.s32 @!p0 $0x1BF5;
	p2 =	por !p2, p0  }
0x20: {  	[sflag:s8] =	ssyncset.s32 @!p0 $0xFFFFF086;
	s6 =	sadd.s32 @!p0 s3, s7;
	s7 =	simm.s32 @!p0 $0x108  }
0x21: {  	s3 =	sadd.s32 s3, s9;
	s6 =	sadd.s32 @!p0 $0x88, s6;
	s7 =	simm.s32 @p2 $0x1082  }
0x22: {  	[simem:s7], [sflag:s8] =	dma.local @!p0 [hbm:s6], $0xF7A  }
0x23: {  	s9 =	sor.u32 $0xD0000000, s2;
	s6 =	simm.s32 $0x108;
	_ =	swait.ge @!p0 [sflag:s8], $0x0  }
0x24: {  	s3 =	sadd.s32 $0x88, s3;
	s6 =	simm.s32 @!p1 $0x1082;
	[sflag:s4] =	ssyncset.s32 $0xFFFFF086  }
0x25: {  	[simem:s6], [sflag:s4] =	dma.local [hbm:s3], $0xF7A  }
0x26: {  	[smem:$0x3F9E] =	sst s1;
	(tag) =	ssettag s2;
	_ =	strace s9  }
0x27: {  	s1 =	sld [smem:$0x3FAE]  }
0x28: {  	s2 =	sld [smem:$0x3FAF]  }
0x29: {  	s4 =	sld [smem:$0x3FB1]  }
0x2a: {  	p0 =	seq.s32 s5, $0x0;
	s5 =	sld [smem:$0x3FB2]  }
0x2b: {  	s6 =	sld [smem:$0x3FB3]  }
0x2c: {  	s7 =	sld [smem:$0x3FB4]  }
0x2d: {  	s3 =	simm.s32 $0x108;
	s8 =	sld [smem:$0x3FB5]  }
0x2e: {  	s3 =	simm.s32 @!p0 $0x1082;
	s9 =	sld [smem:$0x3FB6]  }
0x2f: {  	lr =	sadd.s32 s0, s3;
	s0 =	sld [smem:$0x3FAD]  }
0x30: {  	s3 =	sld [smem:$0x3FB0]  }
0x31: {  	[smem:$0x3FB9] =	sst s10  }
0x32: {  	s10 =	sld [smem:$0x3FB7];
	_ =	sdelay $0x3  }
0x33: {  	p0 =	seq.s32 s10, $0x1;
	s10 =	sld [smem:$0x3FB9];
	_ =	sdelay $0x3  }
0x34: {  	[smem:$0x3FB9] =	sst s10  }
0x35: {  	s10 =	sld [smem:$0x3FB8];
	_ =	sdelay $0x3  }
0x36: {  	p1 =	seq.s32 s10, $0x1;
	s10 =	sld [smem:$0x3FB9];
	_ =	sdelay $0x3  }
0x37: {  	[smem:$0x3FB9] =	sst s10  }
0x38: {  	s10 =	sld [smem:$0x3FBA]  }
0x39: {  	_ = 	snop;
	(pc) =	sbr.ind lr, $3  }
0x3a: {  	_ = 	snop  }
0x3b: {  	_ = 	snop  }
0x3c: {  	p2 =	seq.s32 s10, $0x1;
	s10 =	sld [smem:$0x3FB9]  }
0x3d: {  	_ =	shalt  }
0x3e: {  	_ =	shalt  }
0x3f: {  	_ =	shalt  }
0x40: {  	_ =	shalt  }
0x41: {  	_ =	shalt  }
0x42: {  	_ =	shalt  }
0x43: {  	_ =	shalt  }
0x44: {  	_ =	shalt  }
0x45: {  	_ =	shalt  }
0x46: {  	_ =	shalt  }
0x47: {  	_ =	shalt  }
0x48: {  	_ =	shalt  }
0x49: {  	_ =	shalt  }
0x4a: {  	_ =	shalt  }
0x4b: {  	_ =	shalt  }
0x4c: {  	_ =	shalt  }
0x4d: {  	_ =	shalt  }
0x4e: {  	_ =	shalt  }
0x4f: {  	_ =	shalt  }
0x50: {  	_ =	shalt  }
0x51: {  	_ =	shalt  }
0x52: {  	_ =	shalt  }
0x53: {  	_ =	shalt  }
0x54: {  	_ =	shalt  }
0x55: {  	_ =	shalt  }
0x56: {  	_ =	shalt  }
0x57: {  	_ =	shalt  }
0x58: {  	_ =	shalt  }
0x59: {  	_ =	shalt  }
0x5a: {  	_ =	shalt  }
0x5b: {  	_ =	shalt  }
0x5c: {  	_ =	shalt  }
0x5d: {  	_ =	shalt  }
0x5e: {  	_ =	shalt  }
0x5f: {  	_ =	shalt  }
0x60: {  	_ =	shalt  }
0x61: {  	_ =	shalt  }
0x62: {  	_ =	shalt  }
0x63: {  	_ =	shalt  }
0x64: {  	_ =	shalt  }
0x65: {  	_ =	shalt  }
0x66: {  	_ =	shalt  }
0x67: {  	_ =	shalt  }
0x68: {  	_ =	shalt  }
0x69: {  	_ =	shalt  }
0x6a: {  	_ =	shalt  }
0x6b: {  	_ =	shalt  }
0x6c: {  	_ =	shalt  }
0x6d: {  	_ =	shalt  }
0x6e: {  	_ =	shalt  }
0x6f: {  	_ =	shalt  }
0x70: {  	_ =	shalt  }
0x71: {  	_ =	shalt  }
0x72: {  	_ =	shalt  }
0x73: {  	_ =	shalt  }
0x74: {  	_ =	shalt  }
0x75: {  	_ =	shalt  }
0x76: {  	_ =	shalt  }
0x77: {  	_ =	shalt  }
0x78: {  	_ =	shalt  }
0x79: {  	_ =	shalt  }
0x7a: {  	_ =	shalt  }
0x7b: {  	_ =	shalt  }
0x7c: {  	_ =	shalt  }
0x7d: {  	_ =	shalt  }
0x7e: {  	_ =	shalt  }
0x7f: {  	_ =	shalt  }
0x80: {  	_ =	shalt  }
0x81: {  	_ =	shalt  }
0x82: {  	_ =	shalt  }
0x83: {  	_ =	shalt  }
0x84: {  	_ =	shalt  }
0x85: {  	_ =	shalt  }
0x86: {  	_ =	shalt  }
0x87: {  	_ =	shalt  }
.Lfunc_end0:
.L_simem_size_0:
called_computation_lowered:
.L_overlay_start_0:
0x88: {  	s2 =	sld [smem:$0x3FD9]  }
0x89: {  	s3 =	sld [smem:$0x3FFE];
	_ =	sdelay $0x1  }
0x8a: {  	s1 =	srdreg.scid  }
0x8b: {  	s0 =	sand.u32 $0x1, s1  }
0x8c: {  	s17 =	sshll.u32 s0, $0xA;
	s2 =	sadd.s32 s3, s2  }
0x8d: {  	s2 =	sadd.s32 s2, s17  }
0x8e: {  	[smem:$0x3FC5] =	sst s2  }
0x8f: {  	_ = 	snop  }
0x90: {  	s2 =	sld [smem:$0x3FC8]  }
0x91: {  	s18 =	sld [smem:$0x3FC7];
	(tm) =	ssettm $0x1  }
0x92: {  	s4 =	sld [smem:$0x3FFB];
	_ =	sdelay $0x3  }
0x93: {  	_ =	strace s4  }
0x94: {  	s4 =	sld [smem:$0x3FFC];
	_ =	sdelay $0x3  }
0x95: {  	_ =	strace s4  }
0x96: {  	s4 =	sld [smem:$0x3FFD];
	_ =	sdelay $0x3  }
0x97: {  	_ =	strace s4  }
0x98: {  	_ =	strace $0x8FFFFFFF  }
0x99: {  	s19 =	sld [smem:$0x3FDB];
	_ =	sdelay $0x1  }
0x9a: {  	s5 =	simm.s32 $_scs_section_size  }
0x9b: {  	s6 =	simm.s32 $_size__tile_overlayer_lowered;
	s7 =	simm.s32 $_tile_overlayer_lowered  }
0x9c: {  	s22 =	simm.s32 $0x1BFF;
	s21 =	sshll.u32 s7, $0x1;
	s4 =	sadd.s32 s5, s19  }
0x9d: {  	s8 =	simm.s32 $0x0;
	s20 =	sshll.u32 s6, $0x1;
	s6 =	sadd.s32 s21, s4  }
0x9e: {  	[timem:s8], [sflag:s22] =	dma.local [hbm:s6], s20  }
0x9f: {  	_ =	swait.ge [sflag:s22], s20  }
0xa0: {  	s5 =	ssub.s32 $0x0, s20;
	[sflag:s22] =	ssyncset.done $0x0  }
0xa1: {  	[sflag:s22] =	ssyncadd.s32 s5;
	_ =	sdelay $0x1  }
0xa2: {  	s23 =	simm.s32 $0x1B8B  }
0xa3: {  	_ =	swait.ge [sflag:s23], $0x1  }
0xa4: {  	[sflag:s23] =	ssyncset.done $0x0  }
0xa5: {  	s25 =	simm.s32 $0x1B8E;
	s24 =	sld [smem:$0x3FFE];
	[sflag:s23] =	ssyncadd.s32 $0xFFFFFFFF  }
0xa6: {  	s26 =	simm.s32 $execute0_lowered;
	[smem:$0x3FD2] =	sst s25  }
0xa7: {  	s6 =	sshll.u32 s26, $0x1;
	_ =	strace $0x80000046;
	[dreg:$0x1] =	wrdreg $0xFFFFFFFF  }
0xa8: {  	s28 =	simm.s32 $_size_execute0_lowered;
	s4 =	sadd.s32 s4, s6;
	[dreg:$0x0] =	wrdreg $0x0  }
0xa9: {  	s6 =	sshll.u32 s28, $0x1;
	[dreg:$0x2] =	wrdreg s4  }
0xaa: {  	[dreg:$0x3] =	wrdreg s6  }
0xab: {  	[dreg:$0x4] =	wrdreg $0xC0  }
0xac: {  	_ =	task [dreg:s8], $0x5FFFF  }
0xad: {  	[dreg:$0x1] =	wrdreg $0xFFFFFFFF  }
0xae: {  	[dreg:$0x0] =	wrdreg $0x60  }
0xaf: {  	[dreg:$0x2] =	wrdreg s24  }
0xb0: {  	[dreg:$0x3] =	wrdreg s2  }
0xb1: {  	[dreg:$0x4] =	wrdreg s18  }
0xb2: {  	[dreg:$0x5] =	wrdreg $0x75800  }
0xb3: {  	[dreg:$0x6] =	wrdreg $0x9  }
0xb4: {  	_ =	task.clear_ibuf [dreg:s8], $0x7FFFF;
	_ =	strace $0x90000046  }
0xb5: {  	s29 =	simm.s32 $0x9;
	_ =	strace $0x80000048  }
0xb6: {  	_ =	swait.ge [sflag:s29], $0x1  }
0xb7: {  	[sflag:s29] =	ssyncadd.s32 $0xFFFFFFFF  }
0xb8: {  	_ =	strace $0x90000048  }
0xb9: {  	_ =	sfence  }
0xba: {  	s30 =	sld [smem:$0x0];
	_ =	sdelay $0x2  }
0xbb: {  	s31 =	sshll.u32 s1, $0xD;
	s1 =	sshrl.u32 s1, $0x2  }
0xbc: {  	s3 =	sand.u32 $0x4000, s31;
	s1 =	sadd.s32 s1, s30  }
0xbd: {  	s0 =	sor.u32 s3, s0;
	s1 =	sshll.u32 s1, $0x11  }
0xbe: {  	s0 =	sor.u32 s1, s0  }
0xbf: {  	s0 =	sadd.s32 $0x8F2B, s0  }
0xc0: {  	[sflag:s0] =	ssyncadd.remote.s32 $0x1  }
0xc1: {  	_ =	sfence.sel $0xFFFF  }
0xc2: {  	[dreg:$0x0] =	wrdreg $0xFFFFFFFF;
	(pc) =	sbr.abs _section_cstart, $3  }
0xc3: {  	[dreg:$0x1] =	wrdreg $0xFFFFFFFF  }
0xc4: {  	_ =	task.clear_ibuf [dreg:s8], $0x2FFFF;
	_ =	strace $0x9FFFFFFF  }
0xc5: {  	(tm) =	ssettm $0x7FFFFFFF  }
tec
execute0_lowered:
.L_overlay_start_1:
0x0: {  	(tag) =	ssettag $0x1  }
0x1: {  	s0 =	rddreg [dreg:$0x0]  }
0x2: {  	s1 =	rddreg [dreg:$0x1]  }
0x3: {  	s2 =	rddreg [dreg:$0x2]  }
0x4: {  	s8 =	rddreg [dreg:$0x3];
	s3 =	srdreg.scid  }
0x5: {  	s6 =	simm.s32 $0x0;
	s4 =	stileid.u32;
	s9 =	simm.s32 $0x1  }
0x6: {  	s3 =	sand.u32 $0x1, s3;
	[smem:$0x7FF] =	sst s6;
	s29 =	sshll.u32 s4, $0x4  }
0x7: {  	p0 =	sne.s32 s4, $0x0;
	s5 =	sshll.u32 s3, $0x4;
	_ =	strace $0x80000047  }
0x8: {  	s7 =	sshll.u32 s3, $0x1;
	s3 =	ssub.s32 $0x2, s3;
	s5 =	sor.u32 s4, s5  }
0x9: {  	s30 =	sadd.s32 s29, s8;
	s21 =	sshll.u32 s5, $0x10;
	s5 =	sshll.u32 s5, $0x6  }
0xa: {  	s22 =	sshrl.u32 s3, $0x1;
	[dreg:$0xb] =	wrdreg s30;
	s1 =	sadd.s32 s1, s5  }
0xb: {  	s3 =	ssub.s32 s3, s22;
	s23 =	sadd.s32 s2, s5;
	[dreg:$0x7] =	wrdreg s1  }
0xc: {  	s6 =	sadd.s32 s21, s0;
	s31 =	smax.u32 s3, $0x1;
	[dreg:$0x8] =	wrdreg s23  }
0xd: {  	s8 =	simm.s32 $0x400;
	s24 =	sadd.s32 $0x400, s6;
	[dreg:$0xd] =	wrdreg s31  }
0xe: {  	s22 =	simm.s32 $0x3C00;
	s25 =	sadd.s32 $0xC00, s6;
	[dreg:$0x9] =	wrdreg s24  }
0xf: {  	s0 =	sadd.s32 s7, s0;
	s26 =	sadd.s32 $0x1400, s6;
	[dreg:$0xa] =	wrdreg s25  }
0x10: {  	s5 =	simm.s32 $0x3;
	s28 =	sadd.s32 $0x1C00, s6;
	[dreg:$0x5] =	wrdreg s26  }
0x11: {  	s7 =	simm.s32 $0x2000;
	s0 =	sadd.s32 $0x200400, s0;
	[dreg:$0x6] =	wrdreg s28  }
0x12: {  	v0 =	vlaneseq.u32;
	s2 =	simm.s32 $0x0;
	s6 =	simm.s32 $0x1C00;
	[dreg:$0xc] =	wrdreg s0  }
.LBB2_1:
0x13: {  	[dreg:$0xe] =	wrdreg s2  }
0x14: {  	s0 =	simm.s32 $0x0;
	s1 =	rddreg [dreg:$0x7]  }
0x15: {  	[tilespmem:s0], [sflag:$0x3] =	stream.linear.gather [hbm4b:s1+s0], $0x200, $0x38;
	[tilespmem:$0x7590] =	vst v63  }
0x16: {  	_ =	swait.ge [sflag:s5], $0x200  }
0x17: {  	[sflag:s5] =	ssyncset.done $0x0  }
0x18: {  	s29 =	simm.s32 $0x200;
	s28 =	rddreg [dreg:$0x8];
	[sflag:s5] =	ssyncadd.s32 $0xFFFFFE00  }
0x19: {  	[tilespmem:s29], [sflag:$0x3] =	stream.linear.gather [hbm4b:s28+s0], $0x200, $0x38;
	[tilespmem:$0x7590] =	vst v63  }
0x1a: {  	_ =	swait.ge [sflag:s5], $0x200  }
0x1b: {  	[sflag:s5] =	ssyncset.done $0x0  }
0x1c: {  	s21 =	simm.s32 $0x210;
	s30 =	rddreg [dreg:$0x9];
	[sflag:s5] =	ssyncadd.s32 $0xFFFFFE00  }
0x1d: {  	[tilespmem:s8], [sflag:$0x1] =	stream.strided.gather [hbm4b:s30+s6], $0x3800, s7, s6, $0x38;
	[tilespmem:$0x7590] =	vst v63  }
0x1e: {  	s2 =	simm.s32 $0x10;
	s0 =	simm.s32 $0x0;
	s31 =	rddreg [dreg:$0xa]  }
0x1f: {  	v2 =	vimm.f32 $0.0e+00;
	[tilespmem:s22], [sflag:$0x2] =	stream.strided.gather [hbm4b:s31+s6], $0x3800, s7, s6, $0x38;
	[tilespmem:$0x7590] =	vst v63  }
.LBB2_2:
0x20: {  	[dreg:$0x11] =	wrdreg s0  }
0x21: {  	[dreg:$0x10] =	wrdreg s2  }
0x22: {  	[dreg:$0xf] =	wrdreg s21  }
0x23: {  	_ =	swait.ge [sflag:s9], $0x3800  }
0x24: {  	s17 =	rddreg [dreg:$0x11]  }
0x25: {  	s0 =	smin.u32 s17, $0x1C  }
0x26: {  	s1 =	rddreg [dreg:$0x5];
	[sflag:s9] =	ssyncset.done $0x0;
	s0 =	sshll.u32 s0, $0xB  }
0x27: {  	[sflag:s9] =	ssyncadd.s32 $0xFFFFC800;
	s1 =	sadd.s32 s0, s1  }
0x28: {  	[tilespmem:s8], [sflag:$0x1] =	stream.strided.gather [hbm4b:s1+s6], $0x3800, s7, s6, $0x38;
	[tilespmem:$0x7590] =	vst v63  }
0x29: {  	v1 =	vld [tilespmem:s2+$0xFFFFFFF0];
	_ =	sdelay $0x4  }
0x2a: {  	(v2sf) =	vpush v1, $0x0  }
0x2b: {  	(v2sf) =	vpush v1, $0x1;
	_ =	sdelay $0x1  }
0x2c: {  	(v2sf) =	vpush v1, $0x2;
	_ =	sdelay $0x3  }
0x2d: {  	(v2sf) =	vpush v1, $0x3;
	_ =	sdelay $0x1  }
0x2e: {  	(v2sf) =	vpush v1, $0x4;
	_ =	sdelay $0x1  }
0x2f: {  	(v2sf) =	vpush v1, $0x5;
	_ =	sdelay $0x1  }
0x30: {  	(v2sf) =	vpush v1, $0x6;
	_ =	sdelay $0x1  }
0x31: {  	(v2sf) =	vpush v1, $0x7;
	s24 =	spop (v2sf)  }
0x32: {  	p1 =	slt.s32 s24, $0x370;
	s1 =	smov.u32 s24;
	s31 =	spop (v2sf)  }
0x33: {  	s1 =	simm.s32 @!p1 $0x370;
	p1 =	slt.s32 s31, $0x370  }
0x34: {  	(v2sf) =	vpush v1, $0x8;
	s3 =	smov.u32 s31;
	s23 =	spop (v2sf);
	s18 =	sand.u32 $0x70, s1  }
0x35: {  	s1 =	sshll.u32 s1, $0x3;
	s3 =	simm.s32 @!p1 $0x370;
	p1 =	slt.s32 s23, $0x370  }
0x36: {  	(v2sf) =	vpush v1, $0x9;
	s4 =	smov.u32 s23;
	s1 =	sand.u32 $0xFFFFFC00, s1;
	s19 =	sshll.u32 s3, $0x3  }
0x37: {  	s3 =	sand.u32 $0x70, s3;
	s4 =	simm.s32 @!p1 $0x370;
	s1 =	sor.u32 s18, s1  }
0x38: {  	s2 =	sand.u32 $0xFFFFFC00, s19;
	s20 =	sshll.u32 s4, $0x3;
	s19 =	spop (v2sf)  }
0x39: {  	s4 =	sand.u32 $0x70, s4;
	s2 =	sor.u32 s3, s2;
	s3 =	sand.u32 $0xFFFFFC00, s20  }
0x3a: {  	p1 =	slt.s32 s19, $0x370;
	s5 =	smov.u32 s19;
	s14 =	spop (v2sf)  }
0x3b: {  	s3 =	sor.u32 s4, s3;
	s5 =	simm.s32 @!p1 $0x370;
	p1 =	slt.s32 s14, $0x370  }
0x3c: {  	(v2sf) =	vpush v1, $0xA;
	s8 =	smov.u32 s14;
	s15 =	spop (v2sf);
	s25 =	sand.u32 $0x70, s5  }
0x3d: {  	s5 =	sshll.u32 s5, $0x3;
	s8 =	simm.s32 @!p1 $0x370;
	p1 =	slt.s32 s15, $0x370  }
0x3e: {  	(v2sf) =	vpush v1, $0xB;
	s9 =	smov.u32 s15;
	s12 =	spop (v2sf);
	s5 =	sand.u32 $0xFFFFFC00, s5  }
0x3f: {  	s26 =	sshll.u32 s8, $0x3;
	s8 =	sand.u32 $0x70, s8;
	s9 =	simm.s32 @!p1 $0x370  }
0x40: {  	(v2sf) =	vpush v1, $0xC;
	p1 =	slt.s32 s12, $0x370;
	s10 =	smov.u32 s12;
	s11 =	spop (v2sf)  }
0x41: {  	s4 =	sor.u32 s25, s5;
	s5 =	sand.u32 $0xFFFFFC00, s26;
	s28 =	sand.u32 $0x70, s9  }
0x42: {  	(v2sf) =	vpush v1, $0xD;
	s9 =	sshll.u32 s9, $0x3;
	[dreg:$0x16] =	wrdreg s11;
	s10 =	simm.s32 @!p1 $0x370  }
0x43: {  	s11 =	sand.u32 $0xFFFFFFF0, s11;
	s25 =	spop (v2sf);
	s5 =	sor.u32 s8, s5  }
0x44: {  	s9 =	sand.u32 $0xFFFFFC00, s9;
	s29 =	sshll.u32 s10, $0x3;
	p1 =	slt.s32 s11, $0x370  }
0x45: {  	(v2sf) =	vpush v1, $0xE;
	s10 =	sand.u32 $0x70, s10;
	s26 =	spop (v2sf);
	s8 =	sor.u32 s28, s9  }
0x46: {  	s13 =	sand.u32 $0xFFFFFC00, s29;
	s11 =	simm.s32 @!p1 $0x370;
	p1 =	slt.s32 s25, $0x370  }
0x47: {  	s18 =	smov.u32 s26;
	s16 =	sand.u32 $0x70, s11;
	s11 =	sshll.u32 s11, $0x3  }
0x48: {  	s10 =	sor.u32 s10, s13;
	s13 =	smov.u32 s25;
	s11 =	sor.u32 s16, s11  }
0x49: {  	(v2sf) =	vpush v1, $0xF;
	s13 =	simm.s32 @!p1 $0x370;
	p1 =	slt.s32 s26, $0x370;
	s16 =	sor.u32 $0x380, s11  }
0x4a: {  	s17 =	sand.u32 $0x70, s13;
	s13 =	sshll.u32 s13, $0x3;
	s18 =	simm.s32 @!p1 $0x370  }
0x4b: {  	s20 =	sand.u32 $0xFFFFFC00, s13;
	s13 =	spop (v2sf);
	s30 =	sshll.u32 s18, $0x3  }
0x4c: {  	s9 =	sand.u32 $0x70, s18;
	s17 =	sor.u32 s17, s20;
	p1 =	slt.s32 s13, $0x370  }
0x4d: {  	v20 =	vld [tilespmem:s21+$0xFFFFFFF0];
	s21 =	smov.u32 s13;
	s11 =	sand.u32 $0xFFFFFC00, s30;
	s29 =	spop (v2sf)  }
0x4e: {  	v19 =	vld [tilespmem:s1+$0x400];
	s21 =	simm.s32 @!p1 $0x370;
	s1 =	sor.u32 s9, s11;
	p1 =	slt.s32 s29, $0x370  }
0x4f: {  	v18 =	vld [tilespmem:s2+$0x480];
	s18 =	smov.u32 s29;
	s28 =	spop (v2sf);
	s20 =	sshll.u32 s21, $0x3  }
0x50: {  	v15 =	vld [tilespmem:s5+$0x600];
	s21 =	sand.u32 $0x70, s21;
	s18 =	simm.s32 @!p1 $0x370;
	s5 =	smov.u32 s28  }
0x51: {  	v14 =	vld [tilespmem:s8+$0x680];
	p1 =	slt.s32 s28, $0x370;
	s8 =	spop (v2sf);
	s2 =	sand.u32 $0xFFFFFC00, s20  }
0x52: {  	s30 =	sand.u32 $0x70, s18;
	s11 =	sshll.u32 s18, $0x3;
	[dreg:$0x12] =	wrdreg s5  }
0x53: {  	v17 =	vld [tilespmem:s3+$0x500];
	s5 =	simm.s32 @!p1 $0x370;
	[dreg:$0x13] =	wrdreg s8;
	p1 =	slt.s32 s8, $0x370  }
0x54: {  	v16 =	vld [tilespmem:s4+$0x580];
	s28 =	spop (v2sf);
	s2 =	sor.u32 s21, s2;
	s4 =	sand.u32 $0xFFFFFC00, s11  }
0x55: {  	v13 =	vld [tilespmem:s10+$0x700];
	s18 =	sshll.u32 s5, $0x3;
	s5 =	sand.u32 $0x70, s5;
	s8 =	simm.s32 @!p1 $0x370  }
0x56: {  	v12 =	vld [tilespmem:s16+$0x400];
	p1 =	slt.s32 s28, $0x370;
	s3 =	sor.u32 s30, s4;
	s4 =	sand.u32 $0xFFFFFC00, s18  }
0x57: {  	v11 =	vld [tilespmem:s17+$0x2000];
	s20 =	sand.u32 $0x70, s8;
	s21 =	sshll.u32 s8, $0x3;
	s8 =	smov.u32 s28  }
0x58: {  	v10 =	vld [tilespmem:s1+$0x2080];
	s4 =	sor.u32 s5, s4;
	s1 =	sand.u32 $0xFFFFFC00, s21;
	s30 =	spop (v2sf)  }
0x59: {  	v9 =	vld [tilespmem:s2+$0x2100];
	s8 =	simm.s32 @!p1 $0x370;
	p1 =	slt.s32 s30, $0x370;
	s2 =	smov.u32 s30  }
0x5a: {  	v8 =	vld [tilespmem:s3+$0x2180];
	s1 =	sor.u32 s20, s1;
	s5 =	sshll.u32 s8, $0x3;
	s2 =	simm.s32 @!p1 $0x370  }
0x5b: {  	v7 =	vld [tilespmem:s4+$0x2200];
	s9 =	sand.u32 $0x70, s8;
	s3 =	sand.u32 $0xFFFFFC00, s5;
	s10 =	sshll.u32 s2, $0x3  }
0x5c: {  	v6 =	vld [tilespmem:s1+$0x2280];
	s11 =	sor.u32 s9, s3;
	s2 =	sand.u32 $0x70, s2;
	s16 =	sand.u32 $0xFFFFFC00, s10  }
0x5d: {  	s18 =	simm.s32 $0x2;
	v5 =	vld [tilespmem:s11+$0x2300];
	s17 =	sor.u32 s2, s16  }
0x5e: {  	v4 =	vld [tilespmem:s17+$0x2380];
	_ =	swait.ge [sflag:s18], $0x3800  }
0x5f: {  	(v2sf) =	vpush v20, $0x0  }
0x60: {  	(v2sf) =	vpush v20, $0x1  }
0x61: {  	(v2sf) =	vpush v20, $0x2  }
0x62: {  	(v2sf) =	vpush v20, $0x3  }
0x63: {  	(v2sf) =	vpush v20, $0x4  }
0x64: {  	(v2sf) =	vpush v20, $0x5  }
0x65: {  	(v2sf) =	vpush v20, $0x6  }
0x66: {  	(v2sf) =	vpush v20, $0x7  }
0x67: {  	s20 =	rddreg [dreg:$0x6];
	[sflag:s18] =	ssyncset.done $0x0;
	(v2sf) =	vpush v20, $0x8  }
0x68: {  	s21 =	rddreg [dreg:$0x10];
	[sflag:s18] =	ssyncadd.s32 $0xFFFFC800;
	s0 =	sadd.s32 s0, s20;
	(v2sf) =	vpush v20, $0x9  }
0x69: {  	[tilespmem:s22], [sflag:$0x2] =	stream.strided.gather [hbm4b:s0+s6], $0x3800, s7, s6, $0x38;
	(v2sf) =	vpush v20, $0xA;
	[tilespmem:$0x7590] =	vst v63  }
0x6a: {  	s22 =	rddreg [dreg:$0xf];
	v3 =	vld [tilespmem:s21+$0x0];
	(v2sf) =	vpush v20, $0xB  }
0x6b: {  	v1 =	vld [tilespmem:s22+$0x0];
	(v2sf) =	vpush v20, $0xC  }
0x6c: {  	(v2sf) =	vpush v20, $0xD  }
0x6d: {  	(v2sf) =	vpush v20, $0xE  }
0x6e: {  	s2 =	spop (v2sf);
	(v2sf) =	vpush v20, $0xF  }
0x6f: {  	s3 =	spop (v2sf);
	(v2sf) =	vpush v3, $0x0  }
0x70: {  	s4 =	spop (v2sf);
	(v2sf) =	vpush v1, $0x0  }
0x71: {  	s5 =	spop (v2sf);
	(v2sf) =	vpush v3, $0x1  }
0x72: {  	s22 =	spop (v2sf)  }
0x73: {  	s21 =	spop (v2sf)  }
0x74: {  	s10 =	spop (v2sf)  }
0x75: {  	s20 =	spop (v2sf)  }
0x76: {  	s17 =	spop (v2sf)  }
0x77: {  	s6 =	spop (v2sf)  }
0x78: {  	s16 =	spop (v2sf)  }
0x79: {  	s18 =	spop (v2sf)  }
0x7a: {  	s1 =	spop (v2sf)  }
0x7b: {  	[dreg:$0x1b] =	wrdreg s1;
	s7 =	spop (v2sf)  }
0x7c: {  	[dreg:$0x1a] =	wrdreg s7;
	s8 =	spop (v2sf)  }
0x7d: {  	(v2sf) =	vpush v1, $0x1;
	[dreg:$0x19] =	wrdreg s8;
	s9 =	spop (v2sf)  }
0x7e: {  	[dreg:$0x18] =	wrdreg s9;
	s7 =	spop (v2sf)  }
0x7f: {  	(v2sf) =	vpush v3, $0x2;
	s11 =	spop (v2sf);
	p1 =	slt.s32 s7, $0x370;
	s8 =	smov.u32 s7  }
0x80: {  	(v2sf) =	vpush v1, $0x2;
	[dreg:$0x17] =	wrdreg s11;
	s11 =	spop (v2sf);
	s8 =	simm.s32 @!p1 $0x370  }
0x81: {  	(v2sf) =	vpush v3, $0x3;
	p1 =	slt.s32 s24, $0x380;
	p2 =	slt.s32 s11, $0x370;
	s9 =	smov.u32 s11  }
0x82: {  	v19 =	vsub.f32 $1.000000000e+00, v19;
	s1 =	sand.u32 $0x70, s8;
	s8 =	sshll.u32 s8, $0x3;
	s2 =	simm.s32 @!p1 $0x0  }
0x83: {  	p1 =	slt.s32 s31, $0x380;
	s9 =	simm.s32 @!p2 $0x370;
	s8 =	sand.u32 $0xFFFFFC00, s8  }
0x84: {  	(v2sf) =	vpush v1, $0x3;
	s3 =	simm.s32 @!p1 $0x0;
	p1 =	slt.s32 s23, $0x380;
	v19 =	vmul.f32 s2, v19;
	s2 =	sand.u32 $0xF, s15  }
0x85: {  	s0 =	sshll.u32 s9, $0x3;
	s9 =	sand.u32 $0x70, s9;
	s1 =	sor.u32 s1, s8  }
0x86: {  	(v2sf) =	vpush v3, $0x4;
	s8 =	sand.u32 $0xF, s31;
	s4 =	simm.s32 @!p1 $0x0;
	p1 =	slt.s32 s19, $0x380  }
0x87: {  	s0 =	sand.u32 $0xFFFFFC00, s0;
	[dreg:$0x15] =	wrdreg s1;
	s1 =	sand.u32 $0xF, s24  }
0x88: {  	s24 =	sand.u32 $0xF, s23;
	s5 =	simm.s32 @!p1 $0x0;
	p1 =	slt.s32 s14, $0x380  }
0x89: {  	s23 =	sand.u32 $0xF, s14;
	s0 =	sor.u32 s9, s0;
	s9 =	sand.u32 $0xF, s19  }
0x8a: {  	s22 =	simm.s32 @!p1 $0x0;
	p1 =	slt.s32 s15, $0x380;
	s15 =	rddreg [dreg:$0x16]  }
0x8b: {  	v14 =	vsub.f32 $1.000000000e+00, v14;
	[dreg:$0x14] =	wrdreg s0;
	s21 =	simm.s32 @!p1 $0x0;
	p1 =	slt.s32 s12, $0x380  }
0x8c: {  	(v2sf) =	vpush v1, $0x4;
	s12 =	sand.u32 $0xF, s12;
	s0 =	sand.u32 $0xF, s15;
	s19 =	spop (v2sf)  }
0x8d: {  	v18 =	vsub.f32 $1.000000000e+00, v18;
	(v2sf) =	vpush v3, $0x5;
	s10 =	simm.s32 @!p1 $0x0;
	p1 =	slt.s32 s15, $0x380;
	v14 =	vmul.f32 s21, v14;
	s21 =	sand.u32 $0xF, s25  }
0x8e: {  	(v2sf) =	vpush v1, $0x5;
	s14 =	spop (v2sf);
	s20 =	simm.s32 @!p1 $0x0;
	p1 =	slt.s32 s25, $0x380  }
0x8f: {  	(v2sf) =	vpush v3, $0x6;
	v18 =	vmul.f32 s3, v18;
	s31 =	spop (v2sf);
	p2 =	slt.s32 s14, $0x370;
	s3 =	smov.u32 s14  }
0x90: {  	v17 =	vsub.f32 $1.000000000e+00, v17;
	v15 =	vsub.f32 $1.000000000e+00, v15;
	v22 =	vmov s24;
	s17 =	simm.s32 @!p1 $0x0;
	p1 =	slt.s32 s26, $0x380;
	s24 =	spop (v2sf)  }
0x91: {  	(v2sf) =	vpush v1, $0x6;
	s3 =	simm.s32 @!p2 $0x370;
	s6 =	simm.s32 @!p1 $0x0;
	p1 =	slt.s32 s13, $0x380  }
0x92: {  	v17 =	vmul.f32 s4, v17;
	v15 =	vmul.f32 s22, v15;
	(v2sf) =	vpush v3, $0x7;
	p2 =	slt.s32 s24, $0x370;
	s4 =	smov.u32 s24;
	s22 =	sand.u32 $0x70, s3  }
0x93: {  	v12 =	vsub.f32 $1.000000000e+00, v12;
	v25 =	vmov s2;
	s3 =	sshll.u32 s3, $0x3;
	s2 =	spop (v2sf);
	s16 =	simm.s32 @!p1 $0x0  }
0x94: {  	v13 =	vsub.f32 $1.000000000e+00, v13;
	v21 =	vmov s8;
	p1 =	slt.s32 s29, $0x380;
	s4 =	simm.s32 @!p2 $0x370;
	s8 =	sand.u32 $0xFFFFFC00, s3  }
0x95: {  	v8 =	vsub.f32 $1.000000000e+00, v8;
	v24 =	vmov s23;
	v12 =	vmul.f32 s20, v12;
	s20 =	spop (v2sf);
	s18 =	simm.s32 @!p1 $0x0;
	s23 =	sshll.u32 s4, $0x3  }
0x96: {  	v23 =	vmov s9;
	v13 =	vmul.f32 s10, v13;
	s9 =	sand.u32 $0x70, s4;
	s10 =	sor.u32 s22, s8;
	s22 =	sand.u32 $0xF, s26  }
0x97: {  	v16 =	vsub.f32 $1.000000000e+00, v16;
	v27 =	vmov s0;
	p2 =	slt.s32 s20, $0x370;
	s0 =	smov.u32 s20;
	v8 =	vmul.f32 s18, v8;
	s18 =	rddreg [dreg:$0x19]  }
0x98: {  	v11 =	vsub.f32 $1.000000000e+00, v11;
	v57 =	vmov s1;
	v26 =	vmov s12;
	s12 =	sand.u32 $0xFFFFFC00, s23;
	s23 =	sand.u32 $0xF, s13;
	s0 =	simm.s32 @!p2 $0x370  }
0x99: {  	v10 =	vsub.f32 $1.000000000e+00, v10;
	vm0 =	veq.s32 v57, v0;
	(v2sf) =	vpush v1, $0x7;
	s15 =	sor.u32 s9, s12;
	s25 =	sand.u32 $0x70, s0;
	s0 =	sshll.u32 s0, $0x3  }
0x9a: {  	vm9 =	veq.s32 v21, v0;
	v19 =	vnsel vm0, $0x0, v19;
	(v2sf) =	vpush v3, $0x8;
	s9 =	sand.u32 $0xF, s29;
	[dreg:$0x1c] =	wrdreg s15;
	s26 =	sand.u32 $0xFFFFFC00, s0  }
0x9b: {  	v18 =	vnsel vm9, $0x0, v18;
	v2 =	vadd.f32 v19, v2;
	v59 =	vmov s22;
	s15 =	spop (v2sf);
	s22 =	sor.u32 s25, s26;
	s25 =	rddreg [dreg:$0x12]  }
0x9c: {  	v58 =	vmov s21;
	(v2sf) =	vpush v1, $0x8;
	v61 =	vmov s9;
	s9 =	sand.u32 $0xF, s30;
	s21 =	spop (v2sf);
	s26 =	rddreg [dreg:$0x13]  }
0x9d: {  	vm10 =	veq.s32 v22, v0;
	v2 =	vadd.f32 v2, v18;
	(v2sf) =	vpush v3, $0x9;
	p2 =	slt.s32 s21, $0x370;
	s4 =	smov.u32 s21;
	s3 =	spop (v2sf)  }
0x9e: {  	v16 =	vmul.f32 s5, v16;
	v17 =	vnsel vm10, $0x0, v17;
	vm11 =	veq.s32 v23, v0;
	p1 =	slt.s32 s25, $0x380;
	s4 =	simm.s32 @!p2 $0x370;
	s0 =	spop (v2sf)  }
0x9f: {  	v10 =	vmul.f32 s6, v10;
	v2 =	vadd.f32 v2, v17;
	(v2sf) =	vpush v1, $0x9;
	s5 =	sand.u32 $0xF, s26;
	s6 =	sshll.u32 s4, $0x3;
	p2 =	slt.s32 s0, $0x370  }
0xa0: {  	vm12 =	veq.s32 v24, v0;
	v16 =	vnsel vm11, $0x0, v16;
	s1 =	smov.u32 s0;
	s8 =	sand.u32 $0xFFFFFC00, s6;
	s6 =	spop (v2sf)  }
0xa1: {  	v11 =	vmul.f32 s17, v11;
	v2 =	vadd.f32 v2, v16;
	(v2sf) =	vpush v3, $0xA;
	s4 =	sand.u32 $0x70, s4;
	s1 =	simm.s32 @!p2 $0x370;
	s17 =	spop (v2sf)  }
0xa2: {  	v9 =	vsub.f32 $1.000000000e+00, v9;
	v7 =	vsub.f32 $1.000000000e+00, v7;
	v15 =	vnsel vm12, $0x0, v15;
	s13 =	sor.u32 s4, s8;
	s12 =	sshll.u32 s1, $0x3;
	s4 =	sand.u32 $0xFFFFFFF0, s17  }
0xa3: {  	vm13 =	veq.s32 v25, v0;
	vm14 =	veq.s32 v26, v0;
	v2 =	vadd.f32 v2, v15;
	s1 =	sand.u32 $0x70, s1;
	s8 =	sand.u32 $0xF, s28;
	p2 =	slt.s32 s4, $0x370  }
0xa4: {  	v14 =	vnsel vm13, $0x0, v14;
	v9 =	vmul.f32 s16, v9;
	s16 =	sand.u32 $0xFFFFFC00, s12;
	s12 =	rddreg [dreg:$0x17];
	(v2sf) =	vpush v1, $0xA;
	s4 =	simm.s32 @!p2 $0x370  }
0xa5: {  	v60 =	vmov s23;
	v2 =	vadd.f32 v2, v14;
	s29 =	sor.u32 s1, s16;
	(v2sf) =	vpush v3, $0xB;
	s23 =	sand.u32 $0x70, s4;
	s4 =	sshll.u32 s4, $0x3  }
0xa6: {  	v6 =	vsub.f32 $1.000000000e+00, v6;
	v13 =	vnsel vm14, $0x0, v13;
	(v2sf) =	vpush v1, $0xB;
	s1 =	sor.u32 s23, s4;
	s4 =	sand.u32 $0xF, s25;
	s25 =	rddreg [dreg:$0x1b]  }
0xa7: {  	v5 =	vsub.f32 $1.000000000e+00, v5;
	vm15 =	veq.s32 v27, v0;
	v2 =	vadd.f32 v2, v13;
	s16 =	rddreg [dreg:$0x1a];
	s25 =	simm.s32 @!p1 $0x0;
	p1 =	slt.s32 s26, $0x380  }
0xa8: {  	v4 =	vsub.f32 $1.000000000e+00, v4;
	v12 =	vnsel vm15, $0x0, v12;
	(v2sf) =	vpush v3, $0xC;
	s23 =	spop (v2sf);
	s26 =	rddreg [dreg:$0x18];
	s16 =	simm.s32 @!p1 $0x0  }
0xa9: {  	vm4 =	veq.s32 v58, v0;
	v2 =	vadd.f32 v2, v12;
	p1 =	slt.s32 s28, $0x380;
	v7 =	vmul.f32 s25, v7;
	s25 =	spop (v2sf);
	s28 =	rddreg [dreg:$0x15]  }
0xaa: {  	v11 =	vnsel vm4, $0x0, v11;
	vm5 =	veq.s32 v59, v0;
	(v2sf) =	vpush v1, $0xC;
	s18 =	simm.s32 @!p1 $0x0;
	p1 =	slt.s32 s30, $0x380;
	s30 =	sand.u32 $0xF, s11  }
0xab: {  	v2 =	vadd.f32 v2, v11;
	(v2sf) =	vpush v3, $0xD;
	v62 =	vmov s4;
	s4 =	spop (v2sf);
	v16 =	vld [tilespmem:s28+$0x3C00];
	s28 =	sand.u32 $0xF, s24;
	s26 =	simm.s32 @!p1 $0x0  }
0xac: {  	v10 =	vnsel vm5, $0x0, v10;
	vm6 =	veq.s32 v60, v0;
	v6 =	vmul.f32 s16, v6;
	p1 =	slt.s32 s7, $0x380;
	s7 =	sand.u32 $0xF, s7;
	s16 =	spop (v2sf)  }
0xad: {  	v21 =	vld [tilespmem:s10+$0x3D00];
	v9 =	vnsel vm6, $0x0, v9;
	v2 =	vadd.f32 v2, v10;
	(v2sf) =	vpush v1, $0xD;
	s12 =	simm.s32 @!p1 $0x0;
	p1 =	slt.s32 s11, $0x380;
	s11 =	rddreg [dreg:$0x14]  }
0xae: {  	v63 =	vmov s5;
	s5 =	spop (v2sf);
	v4 =	vmul.f32 s26, v4;
	v20 =	vmov s7;
	s26 =	sand.u32 $0xF, s20;
	s7 =	sor.u32 $0x380, s1  }
0xaf: {  	vm7 =	veq.s32 v61, v0;
	v27 =	vld [tilespmem:s22+$0x3E00];
	v2 =	vadd.f32 v2, v9;
	(v2sf) =	vpush v3, $0xE;
	s19 =	simm.s32 @!p1 $0x0;
	p1 =	slt.s32 s14, $0x380;
	s14 =	sand.u32 $0xF, s14  }
0xb0: {  	v8 =	vnsel vm7, $0x0, v8;
	(v2sf) =	vpush v1, $0xE;
	v5 =	vmul.f32 s18, v5;
	v18 =	vld [tilespmem:s11+$0x3C80];
	s18 =	spop (v2sf);
	s31 =	simm.s32 @!p1 $0x0;
	p1 =	slt.s32 s24, $0x380  }
0xb1: {  	v19 =	vmov s9;
	v2 =	vadd.f32 v2, v8;
	vm8 =	veq.s32 v62, v0;
	s2 =	simm.s32 @!p1 $0x0;
	p1 =	slt.s32 s20, $0x380;
	s20 =	rddreg [dreg:$0x1c]  }
0xb2: {  	vm11 =	veq.s32 v19, v0;
	v29 =	vsub.f32 $1.000000000e+00, v21;
	v7 =	vnsel vm8, $0x0, v7;
	s15 =	simm.s32 @!p1 $0x0;
	p1 =	slt.s32 s21, $0x380;
	v22 =	vld [tilespmem:s20+$0x3D80];
	s20 =	sand.u32 $0xF, s21  }
0xb3: {  	vm9 =	veq.s32 v63, v0;
	v17 =	vmov s8;
	v2 =	vadd.f32 v2, v7;
	v34 =	vld [tilespmem:s7+$0x3C00];
	s21 =	smov.u32 s25;
	s24 =	spop (v2sf);
	s3 =	simm.s32 @!p1 $0x0  }
0xb4: {  	v35 =	vsub.f32 $1.000000000e+00, v27;
	vm10 =	veq.s32 v17, v0;
	v6 =	vnsel vm9, $0x0, v6;
	p1 =	slt.s32 s0, $0x380;
	s0 =	sand.u32 $0xF, s0;
	s11 =	spop (v2sf)  }
0xb5: {  	v5 =	vnsel vm10, $0x0, v5;
	v2 =	vadd.f32 v2, v6;
	v24 =	vsub.f32 $1.000000000e+00, v18;
	s6 =	simm.s32 @!p1 $0x0;
	p1 =	slt.s32 s25, $0x370;
	s8 =	spop (v2sf)  }
0xb6: {  	v23 =	vsub.f32 $1.000000000e+00, v16;
	v38 =	vmov s20;
	(v2sf) =	vpush v3, $0xF;
	s21 =	simm.s32 @!p1 $0x370;
	p1 =	slt.s32 s17, $0x380;
	s20 =	smov.u32 s11  }
0xb7: {  	v25 =	vmov s30;
	v2 =	vadd.f32 v2, v5;
	s10 =	spop (v2sf);
	v26 =	vmul.f32 s19, v24;
	s23 =	simm.s32 @!p1 $0x0;
	s19 =	sand.u32 $0x70, s21  }
0xb8: {  	v4 =	vnsel vm11, $0x0, v4;
	v3 =	vmul.f32 s12, v23;
	v42 =	vsub.f32 $1.000000000e+00, v34;
	s22 =	sshll.u32 s21, $0x3;
	p1 =	slt.s32 s16, $0x370;
	s21 =	smov.u32 s16  }
0xb9: {  	vm13 =	veq.s32 v25, v0;
	vm12 =	veq.s32 v20, v0;
	v2 =	vadd.f32 v2, v4;
	s9 =	spop (v2sf);
	s30 =	sand.u32 $0xFFFFFC00, s22;
	s21 =	simm.s32 @!p1 $0x370  }
0xba: {  	v28 =	vld [tilespmem:s13+$0x3E80];
	v4 =	vmul.f32 s31, v29;
	v3 =	vnsel vm12, $0x0, v3;
	p1 =	slt.s32 s25, $0x380;
	v45 =	vmul.f32 s23, v42;
	s23 =	sand.u32 $0xF, s11;
	s1 =	spop (v2sf)  }
0xbb: {  	v33 =	vld [tilespmem:s29+$0x3F00];
	v31 =	vsub.f32 $1.000000000e+00, v22;
	v2 =	vadd.f32 v3, v2;
	v3 =	vmov s28;
	s31 =	sor.u32 s19, s30;
	s28 =	sshll.u32 s21, $0x3;
	s29 =	sand.u32 $0x70, s21  }
0xbc: {  	v30 =	vmov s14;
	v6 =	vnsel vm13, $0x0, v26;
	s4 =	simm.s32 @!p1 $0x0;
	p1 =	slt.s32 s18, $0x370;
	s12 =	spop (v2sf)  }
0xbd: {  	v32 =	vmul.f32 s2, v31;
	s2 =	sand.u32 $0xF, s17;
	v2 =	vadd.f32 v2, v6;
	s19 =	sand.u32 $0xFFFFFC00, s28;
	v6 =	vmul.f32 s15, v35;
	s15 =	sand.u32 $0xF, s25  }
0xbe: {  	vm14 =	veq.s32 v30, v0;
	s13 =	spop (v2sf);
	s7 =	sor.u32 s29, s19;
	s19 =	smov.u32 s18  }
0xbf: {  	v37 =	vsub.f32 $1.000000000e+00, v28;
	v4 =	vnsel vm14, $0x0, v4;
	s17 =	smov.u32 s10;
	s14 =	spop (v2sf);
	s19 =	simm.s32 @!p1 $0x370  }
0xc0: {  	vm15 =	veq.s32 v3, v0;
	v48 =	vmov s15;
	v2 =	vadd.f32 v2, v4;
	p1 =	slt.s32 s16, $0x380;
	v43 =	vld [tilespmem:s7+$0x5880];
	s7 =	sand.u32 $0xF, s16;
	s15 =	smov.u32 s13  }
0xc1: {  	v36 =	vmov s26;
	v3 =	vnsel vm15, $0x0, v32;
	s5 =	simm.s32 @!p1 $0x0;
	s30 =	sshll.u32 s19, $0x3;
	p1 =	slt.s32 s11, $0x370  }
0xc2: {  	vm4 =	veq.s32 v36, v0;
	v39 =	vmul.f32 s3, v37;
	v40 =	vld [tilespmem:s31+$0x5800];
	s31 =	sand.u32 $0x70, s19;
	v2 =	vadd.f32 v2, v3;
	s3 =	sand.u32 $0xFFFFFC00, s30;
	s20 =	simm.s32 @!p1 $0x370  }
0xc3: {  	v6 =	vnsel vm4, $0x0, v6;
	v3 =	vsub.f32 $1.000000000e+00, v33;
	p1 =	slt.s32 s10, $0x370;
	s19 =	sor.u32 s31, s3;
	s25 =	sshll.u32 s20, $0x3  }
0xc4: {  	v41 =	vmov s0;
	vm5 =	veq.s32 v38, v0;
	s26 =	sand.u32 $0x70, s20;
	s17 =	simm.s32 @!p1 $0x370;
	p1 =	slt.s32 s18, $0x380;
	v2 =	vadd.f32 v2, v6  }
0xc5: {  	v5 =	vnsel vm5, $0x0, v39;
	v3 =	vmul.f32 s6, v3;
	s3 =	sand.u32 $0xFFFFFC00, s25;
	s29 =	sshll.u32 s17, $0x3;
	s31 =	spop (v2sf);
	(v2sf) =	vpush v1, $0xF  }
0xc6: {  	vm6 =	veq.s32 v41, v0;
	v46 =	vld [tilespmem:s19+$0x5900];
	s30 =	sand.u32 $0x70, s17;
	s24 =	simm.s32 @!p1 $0x0;
	p1 =	slt.s32 s1, $0x370;
	v2 =	vadd.f32 v2, v5  }
0xc7: {  	v44 =	vmov s2;
	s6 =	smov.u32 s1;
	s28 =	sor.u32 s26, s3;
	s3 =	sand.u32 $0xFFFFFC00, s29;
	v1 =	vnsel vm6, $0x0, v3;
	v3 =	vsub.f32 $1.000000000e+00, v40  }
0xc8: {  	vm7 =	veq.s32 v44, v0;
	s6 =	simm.s32 @!p1 $0x370;
	p1 =	slt.s32 s13, $0x370;
	s3 =	sor.u32 s30, s3;
	v47 =	vld [tilespmem:s28+$0x5980];
	v1 =	vadd.f32 v2, v1  }
0xc9: {  	v49 =	vsub.f32 $1.000000000e+00, v43;
	s17 =	sand.u32 $0x70, s6;
	s6 =	sshll.u32 s6, $0x3;
	s15 =	simm.s32 @!p1 $0x370;
	v2 =	vnsel vm7, $0x0, v45;
	v3 =	vmul.f32 s4, v3  }
0xca: {  	s16 =	sand.u32 $0xF, s18;
	vm8 =	veq.s32 v48, v0;
	v50 =	vmov s7;
	s18 =	sand.u32 $0xFFFFFC00, s6;
	s19 =	sshll.u32 s15, $0x3;
	v1 =	vadd.f32 v1, v2;
	v2 =	vld [tilespmem:s3+$0x5A00]  }
0xcb: {  	v51 =	vmul.f32 s5, v49;
	s2 =	sor.u32 s17, s18;
	p1 =	slt.s32 s31, $0x370;
	v5 =	vsub.f32 $1.000000000e+00, v46;
	s3 =	smov.u32 s31;
	v3 =	vnsel vm8, $0x0, v3  }
0xcc: {  	v52 =	vmov s16;
	vm9 =	veq.s32 v50, v0;
	s20 =	sand.u32 $0x70, s15;
	v53 =	vld [tilespmem:s2+$0x5A80];
	s4 =	sand.u32 $0xFFFFFC00, s19;
	s3 =	simm.s32 @!p1 $0x370;
	v1 =	vadd.f32 v1, v3  }
0xcd: {  	v54 =	vnsel vm9, $0x0, v51;
	v4 =	vsub.f32 $1.000000000e+00, v47;
	s2 =	sor.u32 s20, s4;
	p1 =	slt.s32 s11, $0x380;
	v3 =	vmul.f32 s24, v5;
	s24 =	sshll.u32 s3, $0x3  }
0xce: {  	v55 =	vmov s23;
	vm10 =	veq.s32 v52, v0;
	v56 =	vld [tilespmem:s2+$0x5B00];
	s8 =	simm.s32 @!p1 $0x0;
	s25 =	sand.u32 $0x70, s3;
	s26 =	sand.u32 $0xFFFFFC00, s24;
	v1 =	vadd.f32 v1, v54  }
0xcf: {  	s28 =	sand.u32 $0xF, s10;
	p1 =	slt.s32 s10, $0x380;
	v4 =	vmul.f32 s8, v4;
	s2 =	sor.u32 s25, s26;
	v3 =	vnsel vm10, $0x0, v3;
	v2 =	vsub.f32 $1.000000000e+00, v2  }
0xd0: {  	vm11 =	veq.s32 v55, v0;
	v57 =	vmov s28;
	s9 =	simm.s32 @!p1 $0x0;
	v58 =	vld [tilespmem:s2+$0x5B80];
	v1 =	vadd.f32 v1, v3  }
0xd1: {  	p1 =	slt.s32 s1, $0x380;
	s1 =	sand.u32 $0xF, s1;
	v59 =	vsub.f32 $1.000000000e+00, v53;
	v3 =	vnsel vm11, $0x0, v4;
	v2 =	vmul.f32 s9, v2  }
0xd2: {  	vm12 =	veq.s32 v57, v0;
	v60 =	vmov s1;
	s12 =	simm.s32 @!p1 $0x0;
	p1 =	slt.s32 s13, $0x380;
	v1 =	vadd.f32 v1, v3  }
0xd3: {  	s30 =	sand.u32 $0xF, s13;
	s0 =	sand.u32 $0xF, s31;
	s14 =	simm.s32 @!p1 $0x0;
	v61 =	vsub.f32 $1.000000000e+00, v56;
	v3 =	vmul.f32 s12, v59;
	v2 =	vnsel vm12, $0x0, v2  }
0xd4: {  	v62 =	vmov s30;
	vm13 =	veq.s32 v60, v0;
	p1 =	slt.s32 s31, $0x380;
	s31 =	rddreg [dreg:$0x11];
	v1 =	vadd.f32 v1, v2;
	s1 =	spop (v2sf)  }
0xd5: {  	v2 =	vnsel vm13, $0x0, v3;
	v3 =	vmul.f32 s14, v61;
	v63 =	vsub.f32 $1.000000000e+00, v58;
	s1 =	simm.s32 @!p1 $0x0;
	p1 =	sne.s32 s31, $0x1E  }
.Ltmp0:
0xd6: {  	vm14 =	veq.s32 v62, v0;
	v1 =	vadd.f32 v1, v2;
	(pc) =	sbr.rel @p1 .LBB2_2-.Ltmp0, $4  }
0xd7: {  	s21 =	rddreg [dreg:$0xf];
	v2 =	vmov s0;
	v3 =	vnsel vm14, $0x0, v3;
	v4 =	vmul.f32 s1, v63  }
0xd8: {  	s22 =	simm.s32 $0x3C00;
	s21 =	sadd.s32 $0x20, s21;
	s7 =	simm.s32 $0x2000;
	vm15 =	veq.s32 v2, v0;
	v1 =	vadd.f32 v1, v3  }
0xd9: {  	s29 =	rddreg [dreg:$0x10];
	s6 =	simm.s32 $0x1C00;
	s8 =	simm.s32 $0x400;
	v2 =	vnsel vm15, $0x0, v4  }
0xda: {  	s2 =	sadd.s32 $0x20, s29;
	s9 =	simm.s32 $0x1;
	s0 =	sadd.s32 $0x2, s31;
	v2 =	vadd.f32 v1, v2  }
0xdb: {  	_ =	swait.ge [sflag:s9], $0x3800  }
0xdc: {  	[sflag:s9] =	ssyncset.done $0x0  }
0xdd: {  	s0 =	simm.s32 $0x2;
	[sflag:s9] =	ssyncadd.s32 $0xFFFFC800  }
0xde: {  	_ =	swait.ge [sflag:s0], $0x3800  }
0xdf: {  	v1 =	vmul.f32 $6.103515630e-05, v2;
	[sflag:s0] =	ssyncset.done $0x0  }
0xe0: {  	[sflag:s0] =	ssyncadd.s32 $0xFFFFC800  }
0xe1: {  	s1 =	simm.s32 $0x7400;
	s5 =	simm.s32 $0x3;
	s29 =	rddreg [dreg:$0xb];
	[tilespmem:$0x7400] =	vst v1  }
0xe2: {  	[spmem:s29] =	stream.linear.scatter [tilespmem:s1], [sflag:$0x3], $0x10, $0x38;
	[tilespmem:$0x7590] =	vst v63  }
0xe3: {  	_ =	swait.ge [sflag:s5], $0x10  }
0xe4: {  	[sflag:s5] =	ssyncset.done $0x0  }
0xe5: {  	[sflag:s5] =	ssyncadd.s32 $0xFFFFFFF0  }
0xe6: {  	[bflag:$0x0] =	sbarrier.arrive $0xFFFF  }
0xe7: {  	s0 =	simm.s32 @!p0 $0x7480;
	s1 =	rddreg [dreg:$0x3]  }
0xe8: {  	[tilespmem:s0], [sflag:$0x3] =	stream.linear.gather @!p0 [spmem:s1], $0x100, $0x38;
	[tilespmem:$0x7590] =	vst v63  }
0xe9: {  	s0 =	simm.s32 @!p0 $0x3  }
0xea: {  	_ =	swait.ge @!p0 [sflag:s0], $0x100  }
0xeb: {  	[sflag:s0] =	ssyncset.done @!p0 $0x0  }
0xec: {  	[sflag:s0] =	ssyncadd.s32 @!p0 $0xFFFFFF00  }
0xed: {  	v1 =	vld @!p0 [tilespmem:$0x7480];
	_ =	sdelay $0x1  }
0xee: {  	v2 =	vld @!p0 [tilespmem:$0x7490];
	_ =	sdelay $0x1  }
0xef: {  	v3 =	vld @!p0 [tilespmem:$0x74A0]  }
0xf0: {  	v1 =	vadd.f32 @!p0 $0.0e+00, v1  }
0xf1: {  	v4 =	vld @!p0 [tilespmem:$0x74B0]  }
0xf2: {  	v1 =	vadd.f32 @!p0 v2, v1  }
0xf3: {  	v2 =	vld @!p0 [tilespmem:$0x74C0]  }
0xf4: {  	v1 =	vadd.f32 @!p0 v3, v1  }
0xf5: {  	v3 =	vld @!p0 [tilespmem:$0x74D0]  }
0xf6: {  	v1 =	vadd.f32 @!p0 v4, v1  }
0xf7: {  	v4 =	vld @!p0 [tilespmem:$0x74E0]  }
0xf8: {  	v1 =	vadd.f32 @!p0 v2, v1  }
0xf9: {  	v2 =	vld @!p0 [tilespmem:$0x74F0]  }
0xfa: {  	v1 =	vadd.f32 @!p0 v3, v1  }
0xfb: {  	v3 =	vld @!p0 [tilespmem:$0x7500]  }
0xfc: {  	v1 =	vadd.f32 @!p0 v4, v1  }
0xfd: {  	v4 =	vld @!p0 [tilespmem:$0x7510]  }
0xfe: {  	v1 =	vadd.f32 @!p0 v2, v1  }
0xff: {  	v2 =	vld @!p0 [tilespmem:$0x7520]  }
0x100: {  	v1 =	vadd.f32 @!p0 v3, v1  }
0x101: {  	v3 =	vld @!p0 [tilespmem:$0x7530]  }
0x102: {  	v1 =	vadd.f32 @!p0 v4, v1  }
0x103: {  	v4 =	vld @!p0 [tilespmem:$0x7540]  }
0x104: {  	v1 =	vadd.f32 @!p0 v2, v1  }
0x105: {  	v2 =	vld @!p0 [tilespmem:$0x7550]  }
0x106: {  	v1 =	vadd.f32 @!p0 v3, v1  }
0x107: {  	v3 =	vld @!p0 [tilespmem:$0x7560]  }
0x108: {  	v1 =	vadd.f32 @!p0 v4, v1  }
0x109: {  	v4 =	vld @!p0 [tilespmem:$0x7570]  }
0x10a: {  	v1 =	vadd.f32 @!p0 v2, v1;
	_ =	sdelay $0x1  }
0x10b: {  	v1 =	vadd.f32 @!p0 v3, v1;
	_ =	sdelay $0x1  }
0x10c: {  	v1 =	vadd.f32 @!p0 v4, v1;
	_ =	sdelay $0x1  }
0x10d: {  	s2 =	simm.s32 @!p0 $0x7400;
	s1 =	simm.s32 @!p0 $0x0;
	s3 =	rddreg [dreg:$0xc];
	[tilespmem:$0x7400] =	vst @!p0 v1  }
0x10e: {  	[hbm4b:s3+s1] =	stream.linear.scatter @!p0 [tilespmem:s2], [sflag:$0x3], $0x10, $0x38;
	[tilespmem:$0x7590] =	vst v63  }
0x10f: {  	_ =	swait.ge @!p0 [sflag:s0], $0x10  }
0x110: {  	s30 =	rddreg [dreg:$0xe]  }
0x111: {  	s31 =	rddreg [dreg:$0xd];
	s2 =	sadd.s32 $0x1, s30  }
0x112: {  	p1 =	sne.s32 s2, s31  }
.Ltmp1:
0x113: {  	_ = 	snop;
	(pc) =	sbr.rel @p1 .LBB2_1-.Ltmp1, $3  }
0x114: {  	_ =	sdelay $0x1  }
0x115: {  	[sflag:s0] =	ssyncset.done @!p0 $0x0  }
0x116: {  	[sflag:s0] =	ssyncadd.s32 @!p0 $0xFFFFFFF0  }
0x117: {  	_ =	sfence.sel $0x180000  }
0x118: {  	[bflag:$0x0] =	sbarrier.arrive $0xFFFF  }
0x119: {  	_ =	strace $0x90000047  }
0x11a: {  	[bflag:$0x2] =	sbarrier.arrive $0xFFFF  }
0x11b: {  	s0 =	rddreg [dreg:$0x4]  }
0x11c: {  	s0 =	sadd.s32 @!p0 $0x100000, s0  }
0x11d: {  	[sflag:s0] =	ssyncadd.tile.s32 @!p0 $0x1;
	_ =	shalt  }
.Lfunc_end2:
_tile_overlayer_lowered:
.L_overlay_start_2:
0x11e: {  	(tag) =	ssettag $0x2  }
0x11f: {  	s0 =	rddreg [dreg:$0x0];
	s2 =	stileid.u32  }
0x120: {  	s1 =	rddreg [dreg:$0x1];
	p0 =	sne.s32 s2, $0x0  }
0x121: {  	s3 =	rddreg [dreg:$0x2];
	[bflag:$0x3] =	sbarrier.arrive $0xFFFF;
	s2 =	simm.s32 @!p0 $0x1C03  }
0x122: {  	[timem:s3], [sflag:s2] =	dma.local @!p0 [hbm:s0], s1  }
0x123: {  	s0 =	simm.s32 @!p0 $0x3  }
0x124: {  	_ =	swait.ge @!p0 [sflag:s0], s1  }
0x125: {  	s1 =	ssub.s32 @!p0 $0x0, s1;
	[sflag:s0] =	ssyncset.done @!p0 $0x0  }
0x126: {  	[sflag:s0] =	ssyncadd.s32 @!p0 s1  }
0x127: {  	[bflag:$0x3] =	sbarrier.arrive $0xFFFF  }
0x128: {  	_ =	shalt  }

</sc_bundles>
